<compile_context>
chip_gen: v7x
topology: tpu7x:2x2x1
jax: 0.10.2.dev20260603
libtpu: 0.0.44.dev20260713+nightly
codegen_flags: <defaults>
</compile_context>

<pallas_src>
import jax
import jax.numpy as jnp
from jax import lax
from jax.experimental import pallas as pl
from jax.experimental.pallas import tpu as pltpu
from jax.experimental.pallas import tpu_sc as plsc

N, E, B, D, K = 4096, 16384, 128, 128, 128

EB_RED = 512
EB_AGG = 2048

NC, NS = 2, 16
NW = NC * NS
B_PER_W = B // NW


def _decode_lo_hi(s_f, q_f):
    s_i = s_f.astype(jnp.int32)
    q_i = q_f.astype(jnp.int32)
    ab = (s_i * s_i - s_i - 2 * q_i) // 2
    d2 = s_i * s_i - 4 * ab
    d_i = jnp.sqrt(d2.astype(jnp.float32)).astype(jnp.int32)
    hi = (s_i + d_i) // 2
    return (s_i - d_i) // 2, hi


def _endpoints_body(inc_ref, code_ref):
    x = inc_ref[...]
    n_iota = lax.broadcasted_iota(jnp.int32, (N, EB_RED), 0).astype(jnp.float32)
    w = x * n_iota
    s = jnp.sum(w, axis=0, keepdims=True)
    m = jnp.max(w, axis=0, keepdims=True)
    code = (s - m) * 4096.0 + m
    code_ref[...] = jnp.broadcast_to(code, (8, EB_RED)).astype(jnp.int32)


def _bends_body(en_ref, s_ref, d_ref):
    x = en_ref[...]
    l_iota = lax.broadcasted_iota(jnp.int32, (B, N), 1).astype(jnp.float32)
    w = x * l_iota
    ssum = jnp.sum(w, axis=1, keepdims=True)
    m = jnp.max(w, axis=1, keepdims=True)
    s_ref[...] = jnp.broadcast_to(ssum - m, (B, 128)).astype(jnp.int32)
    d_ref[...] = jnp.broadcast_to(m, (B, 128)).astype(jnp.int32)


def _sc_prep_body(adj_hbm, sd_hbm, tbp_hbm, sdl, rows8, tbp, sem):
    wid = lax.axis_index("s") * NC + lax.axis_index("c")
    pltpu.sync_copy(sd_hbm.at[pl.ds(wid * 2 * B_PER_W, 2 * B_PER_W)], sdl)
    pltpu.async_copy(adj_hbm.at[sdl], rows8, sem).wait()

    @plsc.parallel_loop(0, N // 16, unroll=8)
    def _build(k):
        sl = pl.ds(k * 16, 16)
        acc = jnp.zeros((16,), jnp.int32)
        for j in range(B_PER_W):
            r = (rows8[2 * j, sl] + rows8[2 * j + 1, sl]).astype(jnp.int32)
            acc = acc | lax.shift_left(r, 4 * j)
        tbp[sl] = acc

    pltpu.sync_copy(tbp, tbp_hbm.at[wid])


def _sc_mask_body(tbp_hbm, code_hbm, mp_hbm, codes, tbp, mrow, sem):
    wid = lax.axis_index("s") * NC + lax.axis_index("c")
    pltpu.sync_copy(code_hbm.at[0], codes)
    pltpu.sync_copy(tbp_hbm.at[wid], tbp)

    @plsc.parallel_loop(0, E // 16, unroll=8)
    def _mask(k):
        sl = pl.ds(k * 16, 16)
        code_v = codes[sl]
        lo_v = lax.shift_right_logical(code_v, 12)
        hi_v = code_v & 4095
        v1 = plsc.load_gather(tbp, [lo_v])
        v2 = plsc.load_gather(tbp, [hi_v])
        mrow[sl] = v1 + v2

    pltpu.sync_copy(mrow, mp_hbm.at[wid])


def _agg_body(mp_ref, ef_ref, w_ref, b_ref, h_ref, hs_ref, rs_ref):
    i = pl.program_id(0)
    xp = mp_ref[...]
    ef = ef_ref[...].astype(jnp.bfloat16)
    masks = []
    for j in range(B_PER_W):
        fld = lax.shift_right_logical(xp, 4 * j) & 15
        masks.append((fld == 2).astype(jnp.bfloat16))
    mask_big = jnp.concatenate(masks, axis=0)

    @pl.when(i == 0)
    def _init():
        hs_ref[...] = jnp.zeros((B, D), jnp.float32)
        rs_ref[...] = jnp.zeros((B, K), jnp.float32)

    hs_ref[...] += jax.lax.dot_general(
        mask_big, ef, (((1,), (0,)), ((), ())),
        preferred_element_type=jnp.float32)
    rs_ref[...] += jnp.broadcast_to(
        jnp.sum(mask_big.astype(jnp.float32), axis=1, keepdims=True), (B, K))

    @pl.when(i == pl.num_programs(0) - 1)
    def _norm():
        rs = rs_ref[...]
        inv = jnp.where(rs > 0.0, 1.0 / rs, 0.0)
        hn = (hs_ref[...] * inv).astype(jnp.bfloat16)
        hw = jax.lax.dot_general(
            hn, w_ref[...].astype(jnp.bfloat16),
            (((1,), (0,)), ((), ())), preferred_element_type=jnp.float32)
        hp = hw + jnp.where(rs > 0.0, 1.0, 0.0) * b_ref[...]
        r_i = lax.broadcasted_iota(jnp.int32, (B, B), 0)
        c_i = lax.broadcasted_iota(jnp.int32, (B, B), 1)
        pmat = (c_i == (r_i % B_PER_W) * NW + r_i // B_PER_W).astype(jnp.float32)
        h_ref[...] = jax.lax.dot_general(
            pmat, hp, (((1,), (0,)), ((), ())),
            preferred_element_type=jnp.float32)


def kernel(edge_nodes, adj_matrix, inc_matrix, edge_feats, W, b):
    bb = b.reshape(1, K)

    s2d, d2d = pl.pallas_call(
        _bends_body,
        grid=(1,),
        in_specs=[pl.BlockSpec((B, N), lambda i: (0, 0))],
        out_specs=[
            pl.BlockSpec((B, 128), lambda i: (0, 0)),
            pl.BlockSpec((B, 128), lambda i: (0, 0)),
        ],
        out_shape=[
            jax.ShapeDtypeStruct((B, 128), jnp.int32),
            jax.ShapeDtypeStruct((B, 128), jnp.int32),
        ],
    )(edge_nodes)
    sd = jnp.stack([s2d[:, 0], d2d[:, 0]], axis=1).reshape(2 * B)

    code2d = pl.pallas_call(
        _endpoints_body,
        grid=(E // EB_RED,),
        in_specs=[pl.BlockSpec((N, EB_RED), lambda i: (0, i))],
        out_specs=pl.BlockSpec((8, EB_RED), lambda i: (0, i)),
        out_shape=jax.ShapeDtypeStruct((8, E), jnp.int32),
        compiler_params=pltpu.CompilerParams(
            dimension_semantics=("arbitrary",)),
    )(inc_matrix)

    mesh = plsc.VectorSubcoreMesh(
        core_axis_name="c", subcore_axis_name="s",
        num_cores=NC, num_subcores=NS)

    tbp = pl.kernel(
        _sc_prep_body,
        out_type=jax.ShapeDtypeStruct((NW, N), jnp.int32),
        mesh=mesh,
        compiler_params=pltpu.CompilerParams(needs_layout_passes=False),
        scratch_types=[
            pltpu.VMEM((2 * B_PER_W,), jnp.int32),
            pltpu.VMEM((2 * B_PER_W, N), jnp.float32),
            pltpu.VMEM((N,), jnp.int32),
            pltpu.SemaphoreType.DMA,
        ],
    )(adj_matrix, sd)

    mp = pl.kernel(
        _sc_mask_body,
        out_type=jax.ShapeDtypeStruct((NW, E), jnp.int32),
        mesh=mesh,
        compiler_params=pltpu.CompilerParams(needs_layout_passes=False),
        scratch_types=[
            pltpu.VMEM((E,), jnp.int32),
            pltpu.VMEM((N,), jnp.int32),
            pltpu.VMEM((E,), jnp.int32),
            pltpu.SemaphoreType.DMA,
        ],
    )(tbp, code2d)

    h = pl.pallas_call(
        _agg_body,
        grid=(E // EB_AGG,),
        in_specs=[
            pl.BlockSpec((NW, EB_AGG), lambda i: (0, i)),
            pl.BlockSpec((EB_AGG, D), lambda i: (i, 0)),
            pl.BlockSpec((D, K), lambda i: (0, 0)),
            pl.BlockSpec((1, K), lambda i: (0, 0)),
        ],
        out_specs=pl.BlockSpec((B, K), lambda i: (0, 0)),
        out_shape=jax.ShapeDtypeStruct((B, K), jnp.float32),
        scratch_shapes=[
            pltpu.VMEM((B, D), jnp.float32),
            pltpu.VMEM((B, K), jnp.float32),
        ],
        compiler_params=pltpu.CompilerParams(
            dimension_semantics=("arbitrary",)),
    )(mp, edge_feats, W, bb)

    return h

# --- scband reference (transcript-rebuilt; emitter-appended) ---
"""Pipeline reference for scband-patch-to-patch-edge-convolution-1580547965681 (READ-ONLY COPY).

The authoritative reference and input builder live on the scoring server;
editing this copy changes nothing except your own understanding.
"""

import jax, jax.numpy as jnp
import numpy as np

N, E, B, D, K = 4096, 16384, 128, 128, 128


def setup_inputs(seed: int = 0) -> dict:
    rng = np.random.default_rng(0)
    src = rng.integers(0, N, size=E)
    dst = (src + 1 + rng.integers(0, N - 1, size=E)) % N
    adj = np.zeros((N, N), dtype=np.float32)
    adj[src, dst] = 1.0
    adj[dst, src] = 1.0
    inc = np.zeros((N, E), dtype=np.float32)
    cols = np.arange(E)
    inc[src, cols] = 1.0
    inc[dst, cols] = 1.0
    pick = rng.integers(0, E, size=B)
    edge_nodes = np.zeros((B, N), dtype=np.float32)
    rows = np.arange(B)
    edge_nodes[rows, src[pick]] = 1.0
    edge_nodes[rows, dst[pick]] = 1.0
    key = jax.random.key(seed)
    k1, k2, k3 = jax.random.split(key, 3)
    edge_feats = jax.random.normal(k1, (E, D), dtype=jnp.float32)
    stdv = 1.0 / float(np.sqrt(K))
    W = jax.random.uniform(k2, (D, K), minval=-stdv, maxval=stdv, dtype=jnp.float32)
    b = jax.random.uniform(k3, (K,), minval=-stdv, maxval=stdv, dtype=jnp.float32)
    return {
        "edge_nodes": jnp.asarray(edge_nodes),
        "adj_matrix": jnp.asarray(adj),
        "inc_matrix": jnp.asarray(inc),
        "edge_feats": edge_feats,
        "W": W,
        "b": b,
    }


def reference(edge_nodes, adj_matrix, inc_matrix, edge_feats, W, b):
    # batch_edge_idcs = inc^T @ (adj^T @ edge_nodes^T), transposed -> [B, E]
    t = adj_matrix.T @ edge_nodes.T            # [N, B]
    t = (inc_matrix.T @ t).T                   # [B, E]
    mask = (t == 2.0).astype(jnp.float32)      # edges adjacent to both endpoints
    row_sum = jnp.sum(mask, axis=1)
    inv = 1.0 / row_sum
    inv = jnp.where(jnp.isinf(inv), 0.0, inv)
    mask = mask * inv[:, None]                 # row-normalised [B, E]
    h_edges = edge_feats @ W + b               # [E, K]
    h = mask @ h_edges                         # [B, K]
    return h

if __name__ == "__main__":
    import jax
    _d = setup_inputs()
    print(jax.jit(kernel)(*tuple(_d.values())))

</pallas_src>

<mosaic_0001>
#map = affine_map<(d0, d1) -> (0, 0)>
#map1 = affine_map<(d0, d1) -> (0)>
module attributes {stable_mosaic.version = 14 : i64} {
  func.func @_sc_prep_body(%arg0: i32, %arg1: i32, %arg2: memref<4096x4096xf32, #tpu.memory_space<hbm>>, %arg3: memref<256xi32, #tpu.memory_space<hbm>>, %arg4: memref<32x4096xi32, #tpu.memory_space<hbm>>, %arg5: memref<8xi32, #tpu.memory_space<vmem>>, %arg6: memref<8x4096xf32, #tpu.memory_space<vmem>>, %arg7: memref<4096xi32, #tpu.memory_space<vmem>>, %arg8: memref<!tpu.dma_semaphore, #tpu.memory_space<semaphore_mem>>) attributes {dimension_semantics = [#tpu.dimension_semantics<core_parallel>, #tpu.dimension_semantics<subcore_parallel>], iteration_bounds = array<i64: 2, 16>, scalar_prefetch = 0 : i64, scratch_operands = 4 : i64, tpu.core_type = #tpu.core_type<sc_vector_subcore>, window_params = [{transform_indices = #map}, {transform_indices = #map1}, {transform_indices = #map}]} {
    %mul3A = arith.constant 2 : i32
    %mul3A_0 = arith.muli %arg1, %mul3A : i32
    %add3A = arith.addi %mul3A_0, %arg0 : i32
    %mul3A_1 = arith.constant 2 : i32
    %mul3A_2 = arith.muli %add3A, %mul3A_1 : i32
    %mul3A_3 = arith.constant 4 : i32
    %mul3A_4 = arith.muli %mul3A_2, %mul3A_3 : i32
    "tpu.region"() ({
      %run_scoped3A = tpu.sem_alloc : memref<!tpu.dma_semaphore, #tpu.memory_space<semaphore_mem>>
      %dma_start3A_11 = tpu.memref_slice %arg3[%mul3A_4] : memref<256xi32, #tpu.memory_space<hbm>> -> memref<8xi32, #tpu.memory_space<hbm>>
      %dma_start3A_12 = tpu.memref_slice %arg3[%mul3A_4] : memref<256xi32, #tpu.memory_space<hbm>> -> memref<8xi32, #tpu.memory_space<hbm>>
      tpu.enqueue_dma source(%dma_start3A_12 : memref<8xi32, #tpu.memory_space<hbm>>) target(%arg5 : memref<8xi32, #tpu.memory_space<vmem>>) target_semaphore(%run_scoped3A : memref<!tpu.dma_semaphore, #tpu.memory_space<semaphore_mem>>)
      %dma_wait3A_13 = tpu.memref_slice %arg3[%mul3A_4] : memref<256xi32, #tpu.memory_space<hbm>> -> memref<8xi32, #tpu.memory_space<hbm>>
      %dma_wait3A_14 = tpu.memref_slice %arg3[%mul3A_4] : memref<256xi32, #tpu.memory_space<hbm>> -> memref<8xi32, #tpu.memory_space<hbm>>
      tpu.wait_dma2 semaphore(%run_scoped3A : memref<!tpu.dma_semaphore, #tpu.memory_space<semaphore_mem>>) src(%dma_wait3A_14 : memref<8xi32, #tpu.memory_space<hbm>>) dst(%arg5 : memref<8xi32, #tpu.memory_space<vmem>>)
      tpu.yield
    }) : () -> ()
    %dma_start3A = arith.constant 0 : i32
    %dma_start3A_5 = arith.constant 0 : i32
    %dma_start3A_6 = tpu.memref_slice %arg2[%dma_start3A, %dma_start3A_5] : memref<4096x4096xf32, #tpu.memory_space<hbm>> -> memref<4096x4096xf32, #tpu.memory_space<hbm>>
    tpu.enqueue_indirect_dma source(%dma_start3A_6 : memref<4096x4096xf32, #tpu.memory_space<hbm>>) target(%arg6 : memref<8x4096xf32, #tpu.memory_space<vmem>>) offsets(%arg5 : memref<8xi32, #tpu.memory_space<vmem>>) semaphore(%arg8 : memref<!tpu.dma_semaphore, #tpu.memory_space<semaphore_mem>>)
    %dma_wait3A = arith.constant 0 : i32
    %dma_wait3A_7 = arith.constant 0 : i32
    %dma_wait3A_8 = tpu.memref_slice %arg2[%dma_wait3A, %dma_wait3A_7] : memref<4096x4096xf32, #tpu.memory_space<hbm>> -> memref<4096x4096xf32, #tpu.memory_space<hbm>>
    tpu.wait_indirect_dma semaphore(%arg8 : memref<!tpu.dma_semaphore, #tpu.memory_space<semaphore_mem>>) src(%dma_wait3A_8 : memref<4096x4096xf32, #tpu.memory_space<hbm>>) dst(%arg6 : memref<8x4096xf32, #tpu.memory_space<vmem>>)
    %parallel_loop3A = arith.constant 0 : i32
    %parallel_loop3A_9 = arith.constant 256 : i32
    %parallel_loop3A_10 = arith.constant 1 : i32
    scf.for %parallel_loop3A_11 = %parallel_loop3A to %parallel_loop3A_9 step %parallel_loop3A_10  : i32 {
      %parallel_loop3A_12 = arith.constant 16 : i32
      %parallel_loop3A_13 = arith.muli %parallel_loop3A_11, %parallel_loop3A_12 : i32
      %parallel_loop3A_14 = arith.constant 0 : i32
      %parallel_loop3A_15 = vector.broadcast %parallel_loop3A_14 : i32 to vector<16xi32>
      %parallel_loop3A_16 = arith.constant 0 : i32
      %parallel_loop3A_17 = arith.index_cast %parallel_loop3A_16 : i32 to index
      %parallel_loop3A_18 = arith.index_cast %parallel_loop3A_13 : i32 to index
      %parallel_loop3A_19 = tpu.vector_load %arg6[%parallel_loop3A_17, %parallel_loop3A_18] {strides = array<i32>} : memref<8x4096xf32, #tpu.memory_space<vmem>>, vector<16xf32>,
      %parallel_loop3A_20 = arith.constant 1 : i32
      %parallel_loop3A_21 = arith.index_cast %parallel_loop3A_20 : i32 to index
      %parallel_loop3A_22 = arith.index_cast %parallel_loop3A_13 : i32 to index
      %parallel_loop3A_23 = tpu.vector_load %arg6[%parallel_loop3A_21, %parallel_loop3A_22] {strides = array<i32>} : memref<8x4096xf32, #tpu.memory_space<vmem>>, vector<16xf32>,
      %parallel_loop3A_24 = arith.addf %parallel_loop3A_19, %parallel_loop3A_23 : vector<16xf32>
      %parallel_loop3A_25 = arith.fptosi %parallel_loop3A_24 : vector<16xf32> to vector<16xi32>
      %parallel_loop3A_26 = arith.constant 0 : i32
      %parallel_loop3A_27 = vector.broadcast %parallel_loop3A_26 : i32 to vector<16xi32>
      %parallel_loop3A_28 = arith.shli %parallel_loop3A_25, %parallel_loop3A_27 : vector<16xi32>
      %parallel_loop3A_29 = arith.ori %parallel_loop3A_15, %parallel_loop3A_28 : vector<16xi32>
      %parallel_loop3A_30 = arith.constant 2 : i32
      %parallel_loop3A_31 = arith.index_cast %parallel_loop3A_30 : i32 to index
      %parallel_loop3A_32 = arith.index_cast %parallel_loop3A_13 : i32 to index
      %parallel_loop3A_33 = tpu.vector_load %arg6[%parallel_loop3A_31, %parallel_loop3A_32] {strides = array<i32>} : memref<8x4096xf32, #tpu.memory_space<vmem>>, vector<16xf32>,
      %parallel_loop3A_34 = arith.constant 3 : i32
      %parallel_loop3A_35 = arith.index_cast %parallel_loop3A_34 : i32 to index
      %parallel_loop3A_36 = arith.index_cast %parallel_loop3A_13 : i32 to index
      %parallel_loop3A_37 = tpu.vector_load %arg6[%parallel_loop3A_35, %parallel_loop3A_36] {strides = array<i32>} : memref<8x4096xf32, #tpu.memory_space<vmem>>, vector<16xf32>,
      %parallel_loop3A_38 = arith.addf %parallel_loop3A_33, %parallel_loop3A_37 : vector<16xf32>
      %parallel_loop3A_39 = arith.fptosi %parallel_loop3A_38 : vector<16xf32> to vector<16xi32>
      %parallel_loop3A_40 = arith.constant 4 : i32
      %parallel_loop3A_41 = vector.broadcast %parallel_loop3A_40 : i32 to vector<16xi32>
      %parallel_loop3A_42 = arith.shli %parallel_loop3A_39, %parallel_loop3A_41 : vector<16xi32>
      %parallel_loop3A_43 = arith.ori %parallel_loop3A_29, %parallel_loop3A_42 : vector<16xi32>
      %parallel_loop3A_44 = arith.constant 4 : i32
      %parallel_loop3A_45 = arith.index_cast %parallel_loop3A_44 : i32 to index
      %parallel_loop3A_46 = arith.index_cast %parallel_loop3A_13 : i32 to index
      %parallel_loop3A_47 = tpu.vector_load %arg6[%parallel_loop3A_45, %parallel_loop3A_46] {strides = array<i32>} : memref<8x4096xf32, #tpu.memory_space<vmem>>, vector<16xf32>,
      %parallel_loop3A_48 = arith.constant 5 : i32
      %parallel_loop3A_49 = arith.index_cast %parallel_loop3A_48 : i32 to index
      %parallel_loop3A_50 = arith.index_cast %parallel_loop3A_13 : i32 to index
      %parallel_loop3A_51 = tpu.vector_load %arg6[%parallel_loop3A_49, %parallel_loop3A_50] {strides = array<i32>} : memref<8x4096xf32, #tpu.memory_space<vmem>>, vector<16xf32>,
      %parallel_loop3A_52 = arith.addf %parallel_loop3A_47, %parallel_loop3A_51 : vector<16xf32>
      %parallel_loop3A_53 = arith.fptosi %parallel_loop3A_52 : vector<16xf32> to vector<16xi32>
      %parallel_loop3A_54 = arith.constant 8 : i32
      %parallel_loop3A_55 = vector.broadcast %parallel_loop3A_54 : i32 to vector<16xi32>
      %parallel_loop3A_56 = arith.shli %parallel_loop3A_53, %parallel_loop3A_55 : vector<16xi32>
      %parallel_loop3A_57 = arith.ori %parallel_loop3A_43, %parallel_loop3A_56 : vector<16xi32>
      %parallel_loop3A_58 = arith.constant 6 : i32
      %parallel_loop3A_59 = arith.index_cast %parallel_loop3A_58 : i32 to index
      %parallel_loop3A_60 = arith.index_cast %parallel_loop3A_13 : i32 to index
      %parallel_loop3A_61 = tpu.vector_load %arg6[%parallel_loop3A_59, %parallel_loop3A_60] {strides = array<i32>} : memref<8x4096xf32, #tpu.memory_space<vmem>>, vector<16xf32>,
      %parallel_loop3A_62 = arith.constant 7 : i32
      %parallel_loop3A_63 = arith.index_cast %parallel_loop3A_62 : i32 to index
      %parallel_loop3A_64 = arith.index_cast %parallel_loop3A_13 : i32 to index
      %parallel_loop3A_65 = tpu.vector_load %arg6[%parallel_loop3A_63, %parallel_loop3A_64] {strides = array<i32>} : memref<8x4096xf32, #tpu.memory_space<vmem>>, vector<16xf32>,
      %parallel_loop3A_66 = arith.addf %parallel_loop3A_61, %parallel_loop3A_65 : vector<16xf32>
      %parallel_loop3A_67 = arith.fptosi %parallel_loop3A_66 : vector<16xf32> to vector<16xi32>
      %parallel_loop3A_68 = arith.constant 12 : i32
      %parallel_loop3A_69 = vector.broadcast %parallel_loop3A_68 : i32 to vector<16xi32>
      %parallel_loop3A_70 = arith.shli %parallel_loop3A_67, %parallel_loop3A_69 : vector<16xi32>
      %parallel_loop3A_71 = arith.ori %parallel_loop3A_57, %parallel_loop3A_70 : vector<16xi32>
      %parallel_loop3A_72 = arith.index_cast %parallel_loop3A_13 : i32 to index
      %parallel_loop3A_73 = tpu.vector_load %arg7[%parallel_loop3A_72] {strides = array<i32>} : memref<4096xi32, #tpu.memory_space<vmem>>, vector<16xi32>,
      tpu.vector_store %arg7[%parallel_loop3A_72], %parallel_loop3A_71 {strides = array<i32>} : memref<4096xi32, #tpu.memory_space<vmem>>, vector<16xi32>,
    } {sc.loop_unroll_factor = 8 : i64, sc.parallel_access}
    "tpu.region"() ({
      %run_scoped3A = tpu.sem_alloc : memref<!tpu.dma_semaphore, #tpu.memory_space<semaphore_mem>>
      %dma_start3A_11 = arith.constant 0 : i32
      %dma_start3A_12 = tpu.memref_slice %arg4[%add3A, %dma_start3A_11] : memref<32x4096xi32, #tpu.memory_space<hbm>> -> memref<1x4096xi32, #tpu.memory_space<hbm>>
      %dma_start3A_13 = tpu.memref_squeeze %dma_start3A_12 : memref<1x4096xi32, #tpu.memory_space<hbm>> -> memref<4096xi32, #tpu.memory_space<hbm>>
      %dma_start3A_14 = arith.constant 0 : i32
      %dma_start3A_15 = tpu.memref_slice %arg4[%add3A, %dma_start3A_14] : memref<32x4096xi32, #tpu.memory_space<hbm>> -> memref<1x4096xi32, #tpu.memory_space<hbm>>
      %dma_start3A_16 = tpu.memref_squeeze %dma_start3A_15 : memref<1x4096xi32, #tpu.memory_space<hbm>> -> memref<4096xi32, #tpu.memory_space<hbm>>
      tpu.enqueue_dma source(%arg7 : memref<4096xi32, #tpu.memory_space<vmem>>) target(%dma_start3A_16 : memref<4096xi32, #tpu.memory_space<hbm>>) target_semaphore(%run_scoped3A : memref<!tpu.dma_semaphore, #tpu.memory_space<semaphore_mem>>)
      %dma_wait3A_17 = arith.constant 0 : i32
      %dma_wait3A_18 = tpu.memref_slice %arg4[%add3A, %dma_wait3A_17] : memref<32x4096xi32, #tpu.memory_space<hbm>> -> memref<1x4096xi32, #tpu.memory_space<hbm>>
      %dma_wait3A_19 = tpu.memref_squeeze %dma_wait3A_18 : memref<1x4096xi32, #tpu.memory_space<hbm>> -> memref<4096xi32, #tpu.memory_space<hbm>>
      %dma_wait3A_20 = arith.constant 0 : i32
      %dma_wait3A_21 = tpu.memref_slice %arg4[%add3A, %dma_wait3A_20] : memref<32x4096xi32, #tpu.memory_space<hbm>> -> memref<1x4096xi32, #tpu.memory_space<hbm>>
      %dma_wait3A_22 = tpu.memref_squeeze %dma_wait3A_21 : memref<1x4096xi32, #tpu.memory_space<hbm>> -> memref<4096xi32, #tpu.memory_space<hbm>>
      tpu.wait_dma2 semaphore(%run_scoped3A : memref<!tpu.dma_semaphore, #tpu.memory_space<semaphore_mem>>) src(%arg7 : memref<4096xi32, #tpu.memory_space<vmem>>) dst(%dma_wait3A_22 : memref<4096xi32, #tpu.memory_space<hbm>>)
      tpu.yield
    }) : () -> ()
    return
  }
}

#map = affine_map<(d0, d1) -> (0, 0)>
module attributes {stable_mosaic.version = 14 : i64} {
  func.func @_sc_mask_body(%arg0: i32, %arg1: i32, %arg2: memref<32x4096xi32, #tpu.memory_space<hbm>>, %arg3: memref<8x16384xi32, #tpu.memory_space<hbm>>, %arg4: memref<32x16384xi32, #tpu.memory_space<hbm>>, %arg5: memref<16384xi32, #tpu.memory_space<vmem>>, %arg6: memref<4096xi32, #tpu.memory_space<vmem>>, %arg7: memref<16384xi32, #tpu.memory_space<vmem>>, %arg8: memref<!tpu.dma_semaphore, #tpu.memory_space<semaphore_mem>>) attributes {dimension_semantics = [#tpu.dimension_semantics<core_parallel>, #tpu.dimension_semantics<subcore_parallel>], iteration_bounds = array<i64: 2, 16>, scalar_prefetch = 0 : i64, scratch_operands = 4 : i64, tpu.core_type = #tpu.core_type<sc_vector_subcore>, window_params = [{transform_indices = #map}, {transform_indices = #map}, {transform_indices = #map}]} {
    %mul3A = arith.constant 2 : i32
    %mul3A_0 = arith.muli %arg1, %mul3A : i32
    %add3A = arith.addi %mul3A_0, %arg0 : i32
    %run_scoped3A = arith.constant 0 : i32
    "tpu.region"() ({
      %run_scoped3A_3 = tpu.sem_alloc : memref<!tpu.dma_semaphore, #tpu.memory_space<semaphore_mem>>
      %dma_start3A = arith.constant 0 : i32
      %dma_start3A_4 = tpu.memref_slice %arg3[%run_scoped3A, %dma_start3A] : memref<8x16384xi32, #tpu.memory_space<hbm>> -> memref<1x16384xi32, #tpu.memory_space<hbm>>
      %dma_start3A_5 = tpu.memref_squeeze %dma_start3A_4 : memref<1x16384xi32, #tpu.memory_space<hbm>> -> memref<16384xi32, #tpu.memory_space<hbm>>
      %dma_start3A_6 = arith.constant 0 : i32
      %dma_start3A_7 = tpu.memref_slice %arg3[%run_scoped3A, %dma_start3A_6] : memref<8x16384xi32, #tpu.memory_space<hbm>> -> memref<1x16384xi32, #tpu.memory_space<hbm>>
      %dma_start3A_8 = tpu.memref_squeeze %dma_start3A_7 : memref<1x16384xi32, #tpu.memory_space<hbm>> -> memref<16384xi32, #tpu.memory_space<hbm>>
      tpu.enqueue_dma source(%dma_start3A_8 : memref<16384xi32, #tpu.memory_space<hbm>>) target(%arg5 : memref<16384xi32, #tpu.memory_space<vmem>>) target_semaphore(%run_scoped3A_3 : memref<!tpu.dma_semaphore, #tpu.memory_space<semaphore_mem>>)
      %dma_wait3A = arith.constant 0 : i32
      %dma_wait3A_9 = tpu.memref_slice %arg3[%run_scoped3A, %dma_wait3A] : memref<8x16384xi32, #tpu.memory_space<hbm>> -> memref<1x16384xi32, #tpu.memory_space<hbm>>
      %dma_wait3A_10 = tpu.memref_squeeze %dma_wait3A_9 : memref<1x16384xi32, #tpu.memory_space<hbm>> -> memref<16384xi32, #tpu.memory_space<hbm>>
      %dma_wait3A_11 = arith.constant 0 : i32
      %dma_wait3A_12 = tpu.memref_slice %arg3[%run_scoped3A, %dma_wait3A_11] : memref<8x16384xi32, #tpu.memory_space<hbm>> -> memref<1x16384xi32, #tpu.memory_space<hbm>>
      %dma_wait3A_13 = tpu.memref_squeeze %dma_wait3A_12 : memref<1x16384xi32, #tpu.memory_space<hbm>> -> memref<16384xi32, #tpu.memory_space<hbm>>
      tpu.wait_dma2 semaphore(%run_scoped3A_3 : memref<!tpu.dma_semaphore, #tpu.memory_space<semaphore_mem>>) src(%dma_wait3A_13 : memref<16384xi32, #tpu.memory_space<hbm>>) dst(%arg5 : memref<16384xi32, #tpu.memory_space<vmem>>)
      tpu.yield
    }) : () -> ()
    "tpu.region"() ({
      %run_scoped3A_3 = tpu.sem_alloc : memref<!tpu.dma_semaphore, #tpu.memory_space<semaphore_mem>>
      %dma_start3A = arith.constant 0 : i32
      %dma_start3A_4 = tpu.memref_slice %arg2[%add3A, %dma_start3A] : memref<32x4096xi32, #tpu.memory_space<hbm>> -> memref<1x4096xi32, #tpu.memory_space<hbm>>
      %dma_start3A_5 = tpu.memref_squeeze %dma_start3A_4 : memref<1x4096xi32, #tpu.memory_space<hbm>> -> memref<4096xi32, #tpu.memory_space<hbm>>
      %dma_start3A_6 = arith.constant 0 : i32
      %dma_start3A_7 = tpu.memref_slice %arg2[%add3A, %dma_start3A_6] : memref<32x4096xi32, #tpu.memory_space<hbm>> -> memref<1x4096xi32, #tpu.memory_space<hbm>>
      %dma_start3A_8 = tpu.memref_squeeze %dma_start3A_7 : memref<1x4096xi32, #tpu.memory_space<hbm>> -> memref<4096xi32, #tpu.memory_space<hbm>>
      tpu.enqueue_dma source(%dma_start3A_8 : memref<4096xi32, #tpu.memory_space<hbm>>) target(%arg6 : memref<4096xi32, #tpu.memory_space<vmem>>) target_semaphore(%run_scoped3A_3 : memref<!tpu.dma_semaphore, #tpu.memory_space<semaphore_mem>>)
      %dma_wait3A = arith.constant 0 : i32
      %dma_wait3A_9 = tpu.memref_slice %arg2[%add3A, %dma_wait3A] : memref<32x4096xi32, #tpu.memory_space<hbm>> -> memref<1x4096xi32, #tpu.memory_space<hbm>>
      %dma_wait3A_10 = tpu.memref_squeeze %dma_wait3A_9 : memref<1x4096xi32, #tpu.memory_space<hbm>> -> memref<4096xi32, #tpu.memory_space<hbm>>
      %dma_wait3A_11 = arith.constant 0 : i32
      %dma_wait3A_12 = tpu.memref_slice %arg2[%add3A, %dma_wait3A_11] : memref<32x4096xi32, #tpu.memory_space<hbm>> -> memref<1x4096xi32, #tpu.memory_space<hbm>>
      %dma_wait3A_13 = tpu.memref_squeeze %dma_wait3A_12 : memref<1x4096xi32, #tpu.memory_space<hbm>> -> memref<4096xi32, #tpu.memory_space<hbm>>
      tpu.wait_dma2 semaphore(%run_scoped3A_3 : memref<!tpu.dma_semaphore, #tpu.memory_space<semaphore_mem>>) src(%dma_wait3A_13 : memref<4096xi32, #tpu.memory_space<hbm>>) dst(%arg6 : memref<4096xi32, #tpu.memory_space<vmem>>)
      tpu.yield
    }) : () -> ()
    %parallel_loop3A = arith.constant 0 : i32
    %parallel_loop3A_1 = arith.constant 1024 : i32
    %parallel_loop3A_2 = arith.constant 1 : i32
    scf.for %parallel_loop3A_3 = %parallel_loop3A to %parallel_loop3A_1 step %parallel_loop3A_2  : i32 {
      %parallel_loop3A_4 = arith.constant 16 : i32
      %parallel_loop3A_5 = arith.muli %parallel_loop3A_3, %parallel_loop3A_4 : i32
      %parallel_loop3A_6 = arith.index_cast %parallel_loop3A_5 : i32 to index
      %parallel_loop3A_7 = tpu.vector_load %arg5[%parallel_loop3A_6] {strides = array<i32>} : memref<16384xi32, #tpu.memory_space<vmem>>, vector<16xi32>,
      %parallel_loop3A_8 = arith.constant 12 : i32
      %parallel_loop3A_9 = vector.broadcast %parallel_loop3A_8 : i32 to vector<16xi32>
      %parallel_loop3A_10 = arith.shrui %parallel_loop3A_7, %parallel_loop3A_9 : vector<16xi32>
      %parallel_loop3A_11 = arith.constant 4095 : i32
      %parallel_loop3A_12 = vector.broadcast %parallel_loop3A_11 : i32 to vector<16xi32>
      %parallel_loop3A_13 = arith.andi %parallel_loop3A_7, %parallel_loop3A_12 : vector<16xi32>
      %parallel_loop3A_14 = tpu.vector_load_idx %arg6[%parallel_loop3A_10] : memref<4096xi32, #tpu.memory_space<vmem>>[vector<16xi32>], vector<16xi32>,
      %parallel_loop3A_15 = tpu.vector_load_idx %arg6[%parallel_loop3A_13] : memref<4096xi32, #tpu.memory_space<vmem>>[vector<16xi32>], vector<16xi32>,
      %parallel_loop3A_16 = arith.addi %parallel_loop3A_14, %parallel_loop3A_15 : vector<16xi32>
      %parallel_loop3A_17 = arith.index_cast %parallel_loop3A_5 : i32 to index
      %parallel_loop3A_18 = tpu.vector_load %arg7[%parallel_loop3A_17] {strides = array<i32>} : memref<16384xi32, #tpu.memory_space<vmem>>, vector<16xi32>,
      tpu.vector_store %arg7[%parallel_loop3A_17], %parallel_loop3A_16 {strides = array<i32>} : memref<16384xi32, #tpu.memory_space<vmem>>, vector<16xi32>,
    } {sc.loop_unroll_factor = 8 : i64, sc.parallel_access}
    "tpu.region"() ({
      %run_scoped3A_3 = tpu.sem_alloc : memref<!tpu.dma_semaphore, #tpu.memory_space<semaphore_mem>>
      %dma_start3A = arith.constant 0 : i32
      %dma_start3A_4 = tpu.memref_slice %arg4[%add3A, %dma_start3A] : memref<32x16384xi32, #tpu.memory_space<hbm>> -> memref<1x16384xi32, #tpu.memory_space<hbm>>
      %dma_start3A_5 = tpu.memref_squeeze %dma_start3A_4 : memref<1x16384xi32, #tpu.memory_space<hbm>> -> memref<16384xi32, #tpu.memory_space<hbm>>
      %dma_start3A_6 = arith.constant 0 : i32
      %dma_start3A_7 = tpu.memref_slice %arg4[%add3A, %dma_start3A_6] : memref<32x16384xi32, #tpu.memory_space<hbm>> -> memref<1x16384xi32, #tpu.memory_space<hbm>>
      %dma_start3A_8 = tpu.memref_squeeze %dma_start3A_7 : memref<1x16384xi32, #tpu.memory_space<hbm>> -> memref<16384xi32, #tpu.memory_space<hbm>>
      tpu.enqueue_dma source(%arg7 : memref<16384xi32, #tpu.memory_space<vmem>>) target(%dma_start3A_8 : memref<16384xi32, #tpu.memory_space<hbm>>) target_semaphore(%run_scoped3A_3 : memref<!tpu.dma_semaphore, #tpu.memory_space<semaphore_mem>>)
      %dma_wait3A = arith.constant 0 : i32
      %dma_wait3A_9 = tpu.memref_slice %arg4[%add3A, %dma_wait3A] : memref<32x16384xi32, #tpu.memory_space<hbm>> -> memref<1x16384xi32, #tpu.memory_space<hbm>>
      %dma_wait3A_10 = tpu.memref_squeeze %dma_wait3A_9 : memref<1x16384xi32, #tpu.memory_space<hbm>> -> memref<16384xi32, #tpu.memory_space<hbm>>
      %dma_wait3A_11 = arith.constant 0 : i32
      %dma_wait3A_12 = tpu.memref_slice %arg4[%add3A, %dma_wait3A_11] : memref<32x16384xi32, #tpu.memory_space<hbm>> -> memref<1x16384xi32, #tpu.memory_space<hbm>>
      %dma_wait3A_13 = tpu.memref_squeeze %dma_wait3A_12 : memref<1x16384xi32, #tpu.memory_space<hbm>> -> memref<16384xi32, #tpu.memory_space<hbm>>
      tpu.wait_dma2 semaphore(%run_scoped3A_3 : memref<!tpu.dma_semaphore, #tpu.memory_space<semaphore_mem>>) src(%arg7 : memref<16384xi32, #tpu.memory_space<vmem>>) dst(%dma_wait3A_13 : memref<16384xi32, #tpu.memory_space<hbm>>)
      tpu.yield
    }) : () -> ()
    return
  }
}

module attributes {stable_mosaic.version = 14 : i64} {
  func.func @_endpoints_body(%arg0: i32, %arg1: memref<4096x512xf32, #tpu.memory_space<vmem>>, %arg2: memref<8x512xi32, #tpu.memory_space<vmem>>) attributes {dimension_semantics = [#tpu.dimension_semantics<arbitrary>], iteration_bounds = array<i64: 32>, scalar_prefetch = 0 : i64, scratch_operands = 0 : i64, tpu.core_type = #tpu.core_type<tc>, window_params = [{transform_indices = @transform_0, window_bounds = array<i64: 4096, 512>}, {transform_indices = @transform_1, window_bounds = array<i64: 8, 512>}]} {
    %get3A = arith.constant 0 : index
    %get3A_0 = arith.constant 0 : index
    %get3A_1 = vector.load %arg1[%get3A, %get3A_0] : memref<4096x512xf32, #tpu.memory_space<vmem>>, vector<4096x512xf32>
    %iota3A = tpu.iota {dimensions = array<i32: 0>} : vector<4096x512xi32>
    %convert_element_type3A = arith.sitofp %iota3A : vector<4096x512xi32> to vector<4096x512xf32>
    %mul3A = arith.mulf %get3A_1, %convert_element_type3A : vector<4096x512xf32>
    %reduce_sum3A = arith.constant dense<0.000000e+00> : vector<512xf32>
    %reduce_sum3A_2 = vector.multi_reduction <add>, %mul3A, %reduce_sum3A [0] : vector<4096x512xf32> to vector<512xf32>
    %broadcast_in_dim3A = vector.shape_cast %reduce_sum3A_2 : vector<512xf32> to vector<1x512xf32>
    %reduce_max3A = arith.constant dense<0xFF800000> : vector<512xf32>
    %reduce_max3A_3 = vector.multi_reduction <maximumf>, %mul3A, %reduce_max3A [0] : vector<4096x512xf32> to vector<512xf32>
    %broadcast_in_dim3A_4 = vector.shape_cast %reduce_max3A_3 : vector<512xf32> to vector<1x512xf32>
    %sub3A = arith.subf %broadcast_in_dim3A, %broadcast_in_dim3A_4 : vector<1x512xf32>
    %mul3A_5 = arith.constant 4.096000e+03 : f32
    %mul3A_6 = vector.broadcast %mul3A_5 : f32 to vector<1x512xf32>
    %mul3A_7 = arith.mulf %sub3A, %mul3A_6 : vector<1x512xf32>
    %add3A = arith.addf %mul3A_7, %broadcast_in_dim3A_4 : vector<1x512xf32>
    %broadcast_in_dim3A_8 = vector.shape_cast %add3A : vector<1x512xf32> to vector<1x512xf32>
    %broadcast_in_dim3A_9 = vector.broadcast %broadcast_in_dim3A_8 : vector<1x512xf32> to vector<8x512xf32>
    %convert_element_type3A_10 = arith.fptosi %broadcast_in_dim3A_9 : vector<8x512xf32> to vector<8x512xi32>
    %swap3A = arith.constant 0 : index
    %swap3A_11 = arith.constant 0 : index
    %swap3A_12 = vector.load %arg2[%swap3A, %swap3A_11] : memref<8x512xi32, #tpu.memory_space<vmem>>, vector<8x512xi32>
    tpu.vector_store %arg2[%swap3A, %swap3A_11], %convert_element_type3A_10 {strides = array<i32>} : memref<8x512xi32, #tpu.memory_space<vmem>>, vector<8x512xi32>,
    return
  }
  func.func @transform_0(%arg0: i32) -> (i32, i32) {
    %c0_i32 = arith.constant 0 : i32
    %c0_i32_0 = arith.constant 0 : i32
    return %c0_i32, %arg0 : i32, i32
  }
  func.func @transform_1(%arg0: i32) -> (i32, i32) {
    %c0_i32 = arith.constant 0 : i32
    %c0_i32_0 = arith.constant 0 : i32
    return %c0_i32, %arg0 : i32, i32
  }
}

module attributes {stable_mosaic.version = 14 : i64} {
  func.func @_agg_body(%arg0: i32, %arg1: memref<32x2048xi32, #tpu.memory_space<vmem>>, %arg2: memref<2048x128xf32, #tpu.memory_space<vmem>>, %arg3: memref<128x128xf32, #tpu.memory_space<vmem>>, %arg4: memref<1x128xf32, #tpu.memory_space<vmem>>, %arg5: memref<128x128xf32, #tpu.memory_space<vmem>>, %arg6: memref<128x128xf32, #tpu.memory_space<vmem>>, %arg7: memref<128x128xf32, #tpu.memory_space<vmem>>) attributes {dimension_semantics = [#tpu.dimension_semantics<arbitrary>], iteration_bounds = array<i64: 8>, scalar_prefetch = 0 : i64, scratch_operands = 2 : i64, tpu.core_type = #tpu.core_type<tc>, window_params = [{transform_indices = @transform_0, window_bounds = array<i64: 32, 2048>}, {transform_indices = @transform_1, window_bounds = array<i64: 2048, 128>}, {pipeline_mode = #tpu.pipeline_mode<synchronous>, transform_indices = @transform_2, window_bounds = array<i64: 128, 128>}, {pipeline_mode = #tpu.pipeline_mode<synchronous>, transform_indices = @transform_3, window_bounds = array<i64: 1, 128>}, {pipeline_mode = #tpu.pipeline_mode<synchronous>, transform_indices = @transform_4, window_bounds = array<i64: 128, 128>}]} {
    %get3A = arith.constant 0 : index
    %get3A_0 = arith.constant 0 : index
    %get3A_1 = vector.load %arg1[%get3A, %get3A_0] : memref<32x2048xi32, #tpu.memory_space<vmem>>, vector<32x2048xi32>
    %get3A_2 = arith.constant 0 : index
    %get3A_3 = arith.constant 0 : index
    %get3A_4 = vector.load %arg2[%get3A_2, %get3A_3] : memref<2048x128xf32, #tpu.memory_space<vmem>>, vector<2048x128xf32>
    %convert_element_type3A = arith.truncf %get3A_4 : vector<2048x128xf32> to vector<2048x128xbf16>
    %shift_right_logical3A = arith.constant 0 : i32
    %shift_right_logical3A_5 = vector.broadcast %shift_right_logical3A : i32 to vector<32x2048xi32>
    %shift_right_logical3A_6 = arith.shrui %get3A_1, %shift_right_logical3A_5 : vector<32x2048xi32>
    %and3A = arith.constant 15 : i32
    %and3A_7 = vector.broadcast %and3A : i32 to vector<32x2048xi32>
    %and3A_8 = arith.andi %shift_right_logical3A_6, %and3A_7 : vector<32x2048xi32>
    %eq3A = arith.constant 2 : i32
    %eq3A_9 = vector.broadcast %eq3A : i32 to vector<32x2048xi32>
    %eq3A_10 = arith.cmpi eq, %and3A_8, %eq3A_9 : vector<32x2048xi32>
    %convert_element_type3A_11 = arith.extui %eq3A_10 : vector<32x2048xi1> to vector<32x2048xi32>
    %convert_element_type3A_12 = arith.sitofp %convert_element_type3A_11 : vector<32x2048xi32> to vector<32x2048xf32>
    %convert_element_type3A_13 = arith.truncf %convert_element_type3A_12 : vector<32x2048xf32> to vector<32x2048xbf16>
    %shift_right_logical3A_14 = arith.constant 4 : i32
    %shift_right_logical3A_15 = vector.broadcast %shift_right_logical3A_14 : i32 to vector<32x2048xi32>
    %shift_right_logical3A_16 = arith.shrui %get3A_1, %shift_right_logical3A_15 : vector<32x2048xi32>
    %and3A_17 = arith.constant 15 : i32
    %and3A_18 = vector.broadcast %and3A_17 : i32 to vector<32x2048xi32>
    %and3A_19 = arith.andi %shift_right_logical3A_16, %and3A_18 : vector<32x2048xi32>
    %eq3A_20 = arith.constant 2 : i32
    %eq3A_21 = vector.broadcast %eq3A_20 : i32 to vector<32x2048xi32>
    %eq3A_22 = arith.cmpi eq, %and3A_19, %eq3A_21 : vector<32x2048xi32>
    %convert_element_type3A_23 = arith.extui %eq3A_22 : vector<32x2048xi1> to vector<32x2048xi32>
    %convert_element_type3A_24 = arith.sitofp %convert_element_type3A_23 : vector<32x2048xi32> to vector<32x2048xf32>
    %convert_element_type3A_25 = arith.truncf %convert_element_type3A_24 : vector<32x2048xf32> to vector<32x2048xbf16>
    %shift_right_logical3A_26 = arith.constant 8 : i32
    %shift_right_logical3A_27 = vector.broadcast %shift_right_logical3A_26 : i32 to vector<32x2048xi32>
    %shift_right_logical3A_28 = arith.shrui %get3A_1, %shift_right_logical3A_27 : vector<32x2048xi32>
    %and3A_29 = arith.constant 15 : i32
    %and3A_30 = vector.broadcast %and3A_29 : i32 to vector<32x2048xi32>
    %and3A_31 = arith.andi %shift_right_logical3A_28, %and3A_30 : vector<32x2048xi32>
    %eq3A_32 = arith.constant 2 : i32
    %eq3A_33 = vector.broadcast %eq3A_32 : i32 to vector<32x2048xi32>
    %eq3A_34 = arith.cmpi eq, %and3A_31, %eq3A_33 : vector<32x2048xi32>
    %convert_element_type3A_35 = arith.extui %eq3A_34 : vector<32x2048xi1> to vector<32x2048xi32>
    %convert_element_type3A_36 = arith.sitofp %convert_element_type3A_35 : vector<32x2048xi32> to vector<32x2048xf32>
    %convert_element_type3A_37 = arith.truncf %convert_element_type3A_36 : vector<32x2048xf32> to vector<32x2048xbf16>
    %shift_right_logical3A_38 = arith.constant 12 : i32
    %shift_right_logical3A_39 = vector.broadcast %shift_right_logical3A_38 : i32 to vector<32x2048xi32>
    %shift_right_logical3A_40 = arith.shrui %get3A_1, %shift_right_logical3A_39 : vector<32x2048xi32>
    %and3A_41 = arith.constant 15 : i32
    %and3A_42 = vector.broadcast %and3A_41 : i32 to vector<32x2048xi32>
    %and3A_43 = arith.andi %shift_right_logical3A_40, %and3A_42 : vector<32x2048xi32>
    %eq3A_44 = arith.constant 2 : i32
    %eq3A_45 = vector.broadcast %eq3A_44 : i32 to vector<32x2048xi32>
    %eq3A_46 = arith.cmpi eq, %and3A_43, %eq3A_45 : vector<32x2048xi32>
    %convert_element_type3A_47 = arith.extui %eq3A_46 : vector<32x2048xi1> to vector<32x2048xi32>
    %convert_element_type3A_48 = arith.sitofp %convert_element_type3A_47 : vector<32x2048xi32> to vector<32x2048xf32>
    %convert_element_type3A_49 = arith.truncf %convert_element_type3A_48 : vector<32x2048xf32> to vector<32x2048xbf16>
    %concatenate3A = tpu.concatenate %convert_element_type3A_13, %convert_element_type3A_25, %convert_element_type3A_37, %convert_element_type3A_49 in 0 : vector<32x2048xbf16>, vector<32x2048xbf16>, vector<32x2048xbf16>, vector<32x2048xbf16> -> vector<128x2048xbf16>
    %eq3A_50 = arith.constant 0 : i32
    %eq3A_51 = arith.cmpi eq, %arg0, %eq3A_50 : i32
    %convert_element_type3A_52 = arith.extui %eq3A_51 : i1 to i32
    %cond3A = arith.constant 0 : i32
    %cond3A_53 = arith.cmpi ne, %convert_element_type3A_52, %cond3A : i32
    scf.if %cond3A_53 {
      %broadcast_in_dim3A_76 = arith.constant 0.000000e+00 : f32
      %broadcast_in_dim3A_77 = vector.broadcast %broadcast_in_dim3A_76 : f32 to vector<128x128xf32>
      %swap3A_78 = arith.constant 0 : index
      %swap3A_79 = arith.constant 0 : index
      %swap3A_80 = vector.load %arg6[%swap3A_78, %swap3A_79] : memref<128x128xf32, #tpu.memory_space<vmem>>, vector<128x128xf32>
      tpu.vector_store %arg6[%swap3A_78, %swap3A_79], %broadcast_in_dim3A_77 {strides = array<i32>} : memref<128x128xf32, #tpu.memory_space<vmem>>, vector<128x128xf32>,
      %broadcast_in_dim3A_81 = arith.constant 0.000000e+00 : f32
      %broadcast_in_dim3A_82 = vector.broadcast %broadcast_in_dim3A_81 : f32 to vector<128x128xf32>
      %swap3A_83 = arith.constant 0 : index
      %swap3A_84 = arith.constant 0 : index
      %swap3A_85 = vector.load %arg7[%swap3A_83, %swap3A_84] : memref<128x128xf32, #tpu.memory_space<vmem>>, vector<128x128xf32>
      tpu.vector_store %arg7[%swap3A_83, %swap3A_84], %broadcast_in_dim3A_82 {strides = array<i32>} : memref<128x128xf32, #tpu.memory_space<vmem>>, vector<128x128xf32>,
    } else {
    }
    %get3A_54 = arith.constant 0 : index
    %get3A_55 = arith.constant 0 : index
    %get3A_56 = vector.load %arg6[%get3A_54, %get3A_55] : memref<128x128xf32, #tpu.memory_space<vmem>>, vector<128x128xf32>
    %dot_general3A = arith.constant dense<0.000000e+00> : vector<128x128xf32>
    %dot_general3A_57 = tpu.matmul %concatenate3A, %convert_element_type3A, %dot_general3A {dimension_numbers = #tpu.dot_dimension_numbers<[1], [0], [0], [1], [0, 0, 1, 1], [], []>, transpose_lhs_hint = false} : vector<128x2048xbf16>, vector<2048x128xbf16>, vector<128x128xf32> -> vector<128x128xf32>
    %add3A = arith.addf %get3A_56, %dot_general3A_57 : vector<128x128xf32>
    %swap3A = arith.constant 0 : index
    %swap3A_58 = arith.constant 0 : index
    %swap3A_59 = vector.load %arg6[%swap3A, %swap3A_58] : memref<128x128xf32, #tpu.memory_space<vmem>>, vector<128x128xf32>
    tpu.vector_store %arg6[%swap3A, %swap3A_58], %add3A {strides = array<i32>} : memref<128x128xf32, #tpu.memory_space<vmem>>, vector<128x128xf32>,
    %get3A_60 = arith.constant 0 : index
    %get3A_61 = arith.constant 0 : index
    %get3A_62 = vector.load %arg7[%get3A_60, %get3A_61] : memref<128x128xf32, #tpu.memory_space<vmem>>, vector<128x128xf32>
    %convert_element_type3A_63 = arith.extf %concatenate3A : vector<128x2048xbf16> to vector<128x2048xf32>
    %reduce_sum3A = arith.constant dense<0.000000e+00> : vector<128xf32>
    %reduce_sum3A_64 = vector.multi_reduction <add>, %convert_element_type3A_63, %reduce_sum3A [1] : vector<128x2048xf32> to vector<128xf32>
    %broadcast_in_dim3A = vector.shape_cast %reduce_sum3A_64 : vector<128xf32> to vector<128x1xf32>
    %broadcast_in_dim3A_65 = vector.shape_cast %broadcast_in_dim3A : vector<128x1xf32> to vector<128x1xf32>
    %broadcast_in_dim3A_66 = vector.broadcast %broadcast_in_dim3A_65 : vector<128x1xf32> to vector<128x128xf32>
    %add3A_67 = arith.addf %get3A_62, %broadcast_in_dim3A_66 : vector<128x128xf32>
    %swap3A_68 = arith.constant 0 : index
    %swap3A_69 = arith.constant 0 : index
    %swap3A_70 = vector.load %arg7[%swap3A_68, %swap3A_69] : memref<128x128xf32, #tpu.memory_space<vmem>>, vector<128x128xf32>
    tpu.vector_store %arg7[%swap3A_68, %swap3A_69], %add3A_67 {strides = array<i32>} : memref<128x128xf32, #tpu.memory_space<vmem>>, vector<128x128xf32>,
    %eq3A_71 = arith.constant 7 : i32
    %eq3A_72 = arith.cmpi eq, %arg0, %eq3A_71 : i32
    %convert_element_type3A_73 = arith.extui %eq3A_72 : i1 to i32
    %cond3A_74 = arith.constant 0 : i32
    %cond3A_75 = arith.cmpi ne, %convert_element_type3A_73, %cond3A_74 : i32
    scf.if %cond3A_75 {
      %get3A_76 = arith.constant 0 : index
      %get3A_77 = arith.constant 0 : index
      %get3A_78 = vector.load %arg7[%get3A_76, %get3A_77] : memref<128x128xf32, #tpu.memory_space<vmem>>, vector<128x128xf32>
      %gt3A = arith.constant 0.000000e+00 : f32
      %gt3A_79 = vector.broadcast %gt3A : f32 to vector<128x128xf32>
      %gt3A_80 = arith.cmpf ogt, %get3A_78, %gt3A_79 : vector<128x128xf32>
      %div3A = arith.constant 1.000000e+00 : f32
      %div3A_81 = vector.broadcast %div3A : f32 to vector<128x128xf32>
      %div3A_82 = arith.divf %div3A_81, %get3A_78 : vector<128x128xf32>
      %jit3A = arith.constant 0.000000e+00 : f32
      %broadcast_in_dim3A_83 = vector.broadcast %jit3A : f32 to vector<128x128xf32>
      %select_n3A = arith.select %gt3A_80, %div3A_82, %broadcast_in_dim3A_83 : vector<128x128xi1>, vector<128x128xf32>
      %get3A_84 = arith.constant 0 : index
      %get3A_85 = arith.constant 0 : index
      %get3A_86 = vector.load %arg6[%get3A_84, %get3A_85] : memref<128x128xf32, #tpu.memory_space<vmem>>, vector<128x128xf32>
      %mul3A = arith.mulf %get3A_86, %select_n3A : vector<128x128xf32>
      %convert_element_type3A_87 = arith.truncf %mul3A : vector<128x128xf32> to vector<128x128xbf16>
      %get3A_88 = arith.constant 0 : index
      %get3A_89 = arith.constant 0 : index
      %get3A_90 = vector.load %arg3[%get3A_88, %get3A_89] : memref<128x128xf32, #tpu.memory_space<vmem>>, vector<128x128xf32>
      %convert_element_type3A_91 = arith.truncf %get3A_90 : vector<128x128xf32> to vector<128x128xbf16>
      %dot_general3A_92 = arith.constant dense<0.000000e+00> : vector<128x128xf32>
      %dot_general3A_93 = tpu.matmul %convert_element_type3A_87, %convert_element_type3A_91, %dot_general3A_92 {dimension_numbers = #tpu.dot_dimension_numbers<[1], [0], [0], [1], [0, 0, 1, 1], [], []>, transpose_lhs_hint = false} : vector<128x128xbf16>, vector<128x128xbf16>, vector<128x128xf32> -> vector<128x128xf32>
      %gt3A_94 = arith.constant 0.000000e+00 : f32
      %gt3A_95 = vector.broadcast %gt3A_94 : f32 to vector<128x128xf32>
      %gt3A_96 = arith.cmpf ogt, %get3A_78, %gt3A_95 : vector<128x128xf32>
      %jit3A_97 = arith.constant 1.000000e+00 : f32
      %jit3A_98 = arith.constant 0.000000e+00 : f32
      %broadcast_in_dim3A_99 = vector.broadcast %jit3A_97 : f32 to vector<128x128xf32>
      %broadcast_in_dim3A_100 = vector.broadcast %jit3A_98 : f32 to vector<128x128xf32>
      %select_n3A_101 = arith.select %gt3A_96, %broadcast_in_dim3A_99, %broadcast_in_dim3A_100 : vector<128x128xi1>, vector<128x128xf32>
      %get3A_102 = arith.constant 0 : index
      %get3A_103 = arith.constant 0 : index
      %get3A_104 = vector.load %arg4[%get3A_102, %get3A_103] : memref<1x128xf32, #tpu.memory_space<vmem>>, vector<1x128xf32>
      %mul3A_105 = vector.broadcast %get3A_104 : vector<1x128xf32> to vector<128x128xf32>
      %mul3A_106 = arith.mulf %select_n3A_101, %mul3A_105 : vector<128x128xf32>
      %add3A_107 = arith.addf %dot_general3A_93, %mul3A_106 : vector<128x128xf32>
      %iota3A = tpu.iota {dimensions = array<i32: 0>} : vector<128x128xi32>
      %iota3A_108 = tpu.iota {dimensions = array<i32: 1>} : vector<128x128xi32>
      %jit3A_109 = arith.constant 4 : i32
      %eq3A_110 = arith.constant 0 : i32
      %eq3A_111 = arith.cmpi eq, %jit3A_109, %eq3A_110 : i32
      %jit3A_112 = arith.constant 1 : i32
      %select_n3A_113 = arith.select %eq3A_111, %jit3A_112, %jit3A_109 : i32
      %rem3A = vector.broadcast %select_n3A_113 : i32 to vector<128x128xi32>
      %rem3A_114 = arith.remsi %iota3A, %rem3A : vector<128x128xi32>
      %ne3A = arith.constant 0 : i32
      %ne3A_115 = vector.broadcast %ne3A : i32 to vector<128x128xi32>
      %ne3A_116 = arith.cmpi ne, %rem3A_114, %ne3A_115 : vector<128x128xi32>
      %lt3A = arith.constant 0 : i32
      %lt3A_117 = vector.broadcast %lt3A : i32 to vector<128x128xi32>
      %lt3A_118 = arith.cmpi slt, %rem3A_114, %lt3A_117 : vector<128x128xi32>
      %lt3A_119 = arith.constant 0 : i32
      %lt3A_120 = arith.cmpi slt, %select_n3A_113, %lt3A_119 : i32
      %ne3A_121 = vector.broadcast %lt3A_120 : i1 to vector<128x128xi1>
      %ne3A_122 = vector.broadcast %ne3A_121 : vector<128x128xi1> to vector<128x128xi1>
      %ne3A_123 = arith.xori %lt3A_118, %ne3A_122 : vector<128x128xi1>
      %and3A_124 = arith.andi %ne3A_123, %ne3A_116 : vector<128x128xi1>
      %add3A_125 = vector.broadcast %select_n3A_113 : i32 to vector<128x128xi32>
      %add3A_126 = arith.addi %rem3A_114, %add3A_125 : vector<128x128xi32>
      %select_n3A_127 = arith.select %and3A_124, %add3A_126, %rem3A_114 : vector<128x128xi1>, vector<128x128xi32>
      %mul3A_128 = arith.constant 32 : i32
      %mul3A_129 = vector.broadcast %mul3A_128 : i32 to vector<128x128xi32>
      %mul3A_130 = arith.muli %select_n3A_127, %mul3A_129 : vector<128x128xi32>
      %jit3A_131 = arith.constant 4 : i32
      %div3A_132 = vector.broadcast %jit3A_131 : i32 to vector<128x128xi32>
      %div3A_133 = arith.divsi %iota3A, %div3A_132 : vector<128x128xi32>
      %sign3A = arith.constant 0 : i32
      %sign3A_134 = vector.broadcast %sign3A : i32 to vector<128x128xi32>
      %sign3A_135 = arith.cmpi sgt, %iota3A, %sign3A_134 : vector<128x128xi32>
      %sign3A_136 = arith.extui %sign3A_135 : vector<128x128xi1> to vector<128x128xi32>
      %sign3A_137 = arith.constant 0 : i32
      %sign3A_138 = vector.broadcast %sign3A_137 : i32 to vector<128x128xi32>
      %sign3A_139 = arith.cmpi slt, %iota3A, %sign3A_138 : vector<128x128xi32>
      %sign3A_140 = arith.extui %sign3A_139 : vector<128x128xi1> to vector<128x128xi32>
      %sign3A_141 = arith.subi %sign3A_136, %sign3A_140 : vector<128x128xi32>
      %sign3A_142 = arith.constant 0 : i32
      %sign3A_143 = arith.cmpi sgt, %jit3A_131, %sign3A_142 : i32
      %sign3A_144 = arith.extui %sign3A_143 : i1 to i32
      %sign3A_145 = arith.constant 0 : i32
      %sign3A_146 = arith.cmpi slt, %jit3A_131, %sign3A_145 : i32
      %sign3A_147 = arith.extui %sign3A_146 : i1 to i32
      %sign3A_148 = arith.subi %sign3A_144, %sign3A_147 : i32
      %ne3A_149 = vector.broadcast %sign3A_148 : i32 to vector<128x128xi32>
      %ne3A_150 = arith.cmpi ne, %sign3A_141, %ne3A_149 : vector<128x128xi32>
      %rem3A_151 = vector.broadcast %jit3A_131 : i32 to vector<128x128xi32>
      %rem3A_152 = arith.remsi %iota3A, %rem3A_151 : vector<128x128xi32>
      %ne3A_153 = arith.constant 0 : i32
      %ne3A_154 = vector.broadcast %ne3A_153 : i32 to vector<128x128xi32>
      %ne3A_155 = arith.cmpi ne, %rem3A_152, %ne3A_154 : vector<128x128xi32>
      %and3A_156 = arith.andi %ne3A_150, %ne3A_155 : vector<128x128xi1>
      %sub3A = arith.constant 1 : i32
      %sub3A_157 = vector.broadcast %sub3A : i32 to vector<128x128xi32>
      %sub3A_158 = arith.subi %div3A_133, %sub3A_157 : vector<128x128xi32>
      %select_n3A_159 = arith.select %and3A_156, %sub3A_158, %div3A_133 : vector<128x128xi1>, vector<128x128xi32>
      %add3A_160 = arith.addi %mul3A_130, %select_n3A_159 : vector<128x128xi32>
      %eq3A_161 = arith.cmpi eq, %iota3A_108, %add3A_160 : vector<128x128xi32>
      %convert_element_type3A_162 = arith.extui %eq3A_161 : vector<128x128xi1> to vector<128x128xi32>
      %convert_element_type3A_163 = arith.sitofp %convert_element_type3A_162 : vector<128x128xi32> to vector<128x128xf32>
      %dot_general3A_164 = arith.constant dense<0.000000e+00> : vector<128x128xf32>
      %dot_general3A_165 = tpu.matmul %convert_element_type3A_163, %add3A_107, %dot_general3A_164 {dimension_numbers = #tpu.dot_dimension_numbers<[1], [0], [0], [1], [0, 0, 1, 1], [], []>, transpose_lhs_hint = false} : vector<128x128xf32>, vector<128x128xf32>, vector<128x128xf32> -> vector<128x128xf32>
      %swap3A_166 = arith.constant 0 : index
      %swap3A_167 = arith.constant 0 : index
      %swap3A_168 = vector.load %arg5[%swap3A_166, %swap3A_167] : memref<128x128xf32, #tpu.memory_space<vmem>>, vector<128x128xf32>
      tpu.vector_store %arg5[%swap3A_166, %swap3A_167], %dot_general3A_165 {strides = array<i32>} : memref<128x128xf32, #tpu.memory_space<vmem>>, vector<128x128xf32>,
    } else {
    }
    return
  }
  func.func @transform_0(%arg0: i32) -> (i32, i32) {
    %c0_i32 = arith.constant 0 : i32
    %c0_i32_0 = arith.constant 0 : i32
    return %c0_i32, %arg0 : i32, i32
  }
  func.func @transform_1(%arg0: i32) -> (i32, i32) {
    %c0_i32 = arith.constant 0 : i32
    %c0_i32_0 = arith.constant 0 : i32
    return %arg0, %c0_i32 : i32, i32
  }
  func.func @transform_2(%arg0: i32) -> (i32, i32) {
    %c0_i32 = arith.constant 0 : i32
    %c0_i32_0 = arith.constant 0 : i32
    %c0_i32_1 = arith.constant 0 : i32
    return %c0_i32, %c0_i32_0 : i32, i32
  }
  func.func @transform_3(%arg0: i32) -> (i32, i32) {
    %c0_i32 = arith.constant 0 : i32
    %c0_i32_0 = arith.constant 0 : i32
    %c0_i32_1 = arith.constant 0 : i32
    return %c0_i32, %c0_i32_0 : i32, i32
  }
  func.func @transform_4(%arg0: i32) -> (i32, i32) {
    %c0_i32 = arith.constant 0 : i32
    %c0_i32_0 = arith.constant 0 : i32
    %c0_i32_1 = arith.constant 0 : i32
    return %c0_i32, %c0_i32_0 : i32, i32
  }
}

module attributes {stable_mosaic.version = 14 : i64} {
  func.func @_bends_body(%arg0: i32, %arg1: memref<128x4096xf32, #tpu.memory_space<vmem>>, %arg2: memref<128x128xi32, #tpu.memory_space<vmem>>, %arg3: memref<128x128xi32, #tpu.memory_space<vmem>>) attributes {dimension_semantics = [#tpu.dimension_semantics<arbitrary>], iteration_bounds = array<i64: 1>, scalar_prefetch = 0 : i64, scratch_operands = 0 : i64, tpu.core_type = #tpu.core_type<tc>, window_params = [{pipeline_mode = #tpu.pipeline_mode<synchronous>, transform_indices = @transform_0, window_bounds = array<i64: 128, 4096>}, {pipeline_mode = #tpu.pipeline_mode<synchronous>, transform_indices = @transform_1, window_bounds = array<i64: 128, 128>}, {pipeline_mode = #tpu.pipeline_mode<synchronous>, transform_indices = @transform_2, window_bounds = array<i64: 128, 128>}]} {
    %get3A = arith.constant 0 : index
    %get3A_0 = arith.constant 0 : index
    %get3A_1 = vector.load %arg1[%get3A, %get3A_0] : memref<128x4096xf32, #tpu.memory_space<vmem>>, vector<128x4096xf32>
    %iota3A = tpu.iota {dimensions = array<i32: 1>} : vector<128x4096xi32>
    %convert_element_type3A = arith.sitofp %iota3A : vector<128x4096xi32> to vector<128x4096xf32>
    %mul3A = arith.mulf %get3A_1, %convert_element_type3A : vector<128x4096xf32>
    %reduce_sum3A = arith.constant dense<0.000000e+00> : vector<128xf32>
    %reduce_sum3A_2 = vector.multi_reduction <add>, %mul3A, %reduce_sum3A [1] : vector<128x4096xf32> to vector<128xf32>
    %broadcast_in_dim3A = vector.shape_cast %reduce_sum3A_2 : vector<128xf32> to vector<128x1xf32>
    %reduce_max3A = arith.constant dense<0xFF800000> : vector<128xf32>
    %reduce_max3A_3 = vector.multi_reduction <maximumf>, %mul3A, %reduce_max3A [1] : vector<128x4096xf32> to vector<128xf32>
    %broadcast_in_dim3A_4 = vector.shape_cast %reduce_max3A_3 : vector<128xf32> to vector<128x1xf32>
    %sub3A = arith.subf %broadcast_in_dim3A, %broadcast_in_dim3A_4 : vector<128x1xf32>
    %broadcast_in_dim3A_5 = vector.shape_cast %sub3A : vector<128x1xf32> to vector<128x1xf32>
    %broadcast_in_dim3A_6 = vector.broadcast %broadcast_in_dim3A_5 : vector<128x1xf32> to vector<128x128xf32>
    %convert_element_type3A_7 = arith.fptosi %broadcast_in_dim3A_6 : vector<128x128xf32> to vector<128x128xi32>
    %swap3A = arith.constant 0 : index
    %swap3A_8 = arith.constant 0 : index
    %swap3A_9 = vector.load %arg2[%swap3A, %swap3A_8] : memref<128x128xi32, #tpu.memory_space<vmem>>, vector<128x128xi32>
    tpu.vector_store %arg2[%swap3A, %swap3A_8], %convert_element_type3A_7 {strides = array<i32>} : memref<128x128xi32, #tpu.memory_space<vmem>>, vector<128x128xi32>,
    %broadcast_in_dim3A_10 = vector.shape_cast %broadcast_in_dim3A_4 : vector<128x1xf32> to vector<128x1xf32>
    %broadcast_in_dim3A_11 = vector.broadcast %broadcast_in_dim3A_10 : vector<128x1xf32> to vector<128x128xf32>
    %convert_element_type3A_12 = arith.fptosi %broadcast_in_dim3A_11 : vector<128x128xf32> to vector<128x128xi32>
    %swap3A_13 = arith.constant 0 : index
    %swap3A_14 = arith.constant 0 : index
    %swap3A_15 = vector.load %arg3[%swap3A_13, %swap3A_14] : memref<128x128xi32, #tpu.memory_space<vmem>>, vector<128x128xi32>
    tpu.vector_store %arg3[%swap3A_13, %swap3A_14], %convert_element_type3A_12 {strides = array<i32>} : memref<128x128xi32, #tpu.memory_space<vmem>>, vector<128x128xi32>,
    return
  }
  func.func @transform_0(%arg0: i32) -> (i32, i32) {
    %c0_i32 = arith.constant 0 : i32
    %c0_i32_0 = arith.constant 0 : i32
    %c0_i32_1 = arith.constant 0 : i32
    return %c0_i32, %c0_i32_0 : i32, i32
  }
  func.func @transform_1(%arg0: i32) -> (i32, i32) {
    %c0_i32 = arith.constant 0 : i32
    %c0_i32_0 = arith.constant 0 : i32
    %c0_i32_1 = arith.constant 0 : i32
    return %c0_i32, %c0_i32_0 : i32, i32
  }
  func.func @transform_2(%arg0: i32) -> (i32, i32) {
    %c0_i32 = arith.constant 0 : i32
    %c0_i32_0 = arith.constant 0 : i32
    %c0_i32_1 = arith.constant 0 : i32
    return %c0_i32, %c0_i32_0 : i32, i32
  }
}

</mosaic_0001>

<sc_bundles>
// kernel: kernel.10.cloned.1.call-start
scs
__scs_entry_jumppad:
0x0: {  	(pc) =	sbr.rel $0x88, $3  }
0x1: {  	(tag) =	ssettag $0x0;
	lr =	simm.s32 $0x1  }
0x2: {  	[smem:$0x3F9B] =	sst lr;
	_ =	strace $0xD0000000  }
0x3: {  	_ = 	snop  }
0x4: {  	_ = 	snop  }
0x5: {  	_ = 	snop  }
0x6: {  	_ = 	snop  }
0x7: {  	_ = 	snop  }
__scs_overlays_trampoline_lowered:
0x8: {  	[smem:$0x3FAA] =	sst s0  }
0x9: {  	[smem:$0x3FAB] =	sst s1  }
0xa: {  	[smem:$0x3FAC] =	sst s2  }
0xb: {  	[smem:$0x3FAD] =	sst s3  }
0xc: {  	[smem:$0x3FAE] =	sst s4  }
0xd: {  	[smem:$0x3FAF] =	sst s5  }
0xe: {  	[smem:$0x3FB0] =	sst s6  }
0xf: {  	[smem:$0x3FB1] =	sst s7  }
0x10: {  	[smem:$0x3FB2] =	sst s8  }
0x11: {  	[smem:$0x3FB3] =	sst s9;
	s0 =	simm.s32 @!p0 $0x0  }
0x12: {  	s1 =	sld [smem:$0x3F99];
	s0 =	simm.s32 @p0 $0x1  }
0x13: {  	[smem:$0x3FB4] =	sst s0;
	s0 =	simm.s32 @!p1 $0x0  }
0x14: {  	s2 =	sld [smem:$0x3F98];
	s0 =	simm.s32 @p1 $0x1  }
0x15: {  	[smem:$0x3FB5] =	sst s0;
	s0 =	simm.s32 @!p2 $0x0  }
0x16: {  	s3 =	sld [smem:$0x3FDB];
	s0 =	simm.s32 @p2 $0x1  }
0x17: {  	s4 =	simm.s32 $0x1BF5;
	[smem:$0x3FB7] =	sst s0  }
0x18: {  	s0 =	sld [smem:$0x3F9A];
	_ =	swait.ge [sflag:s4], $0x0  }
0x19: {  	s7 =	sld [smem:$0x3F9B]  }
0x1a: {  	s8 =	sadd.s32 $0xFFFFE003, lr  }
0x1b: {  	s9 =	sadd.s32 $0xFFFFFEF7, lr;
	s5 =	simm.s32 $0xFFFFFFFF;
	p2 =	slt.u32 s8, $0xFFFFF086  }
0x1c: {  	p1 =	slt.u32 s9, $0xF7A;
	s5 =	simm.s32 @!p2 $0x0  }
0x1d: {  	s5 =	simm.s32 @p1 $0x1;
	p0 =	seq.s32 s7, s2  }
0x1e: {  	s7 =	smul.u32 @!p0 $0xF7A, s2;
	p2 =	seq.s32 @!p0 s5, $0x0  }
0x1f: {  	s9 =	smul.u32 $0xF7A, s1;
	s8 =	simm.s32 @!p0 $0x1BF5;
	p2 =	por !p2, p0  }
0x20: {  	[sflag:s8] =	ssyncset.s32 @!p0 $0xFFFFF086;
	s6 =	sadd.s32 @!p0 s3, s7;
	s7 =	simm.s32 @!p0 $0x108  }
0x21: {  	s3 =	sadd.s32 s3, s9;
	s6 =	sadd.s32 @!p0 $0x88, s6;
	s7 =	simm.s32 @p2 $0x1082  }
0x22: {  	[simem:s7], [sflag:s8] =	dma.local @!p0 [hbm:s6], $0xF7A  }
0x23: {  	s9 =	sor.u32 $0xD0000000, s2;
	s6 =	simm.s32 $0x108;
	_ =	swait.ge @!p0 [sflag:s8], $0x0  }
0x24: {  	s3 =	sadd.s32 $0x88, s3;
	s6 =	simm.s32 @!p1 $0x1082;
	[sflag:s4] =	ssyncset.s32 $0xFFFFF086  }
0x25: {  	[simem:s6], [sflag:s4] =	dma.local [hbm:s3], $0xF7A  }
0x26: {  	[smem:$0x3F9B] =	sst s1;
	(tag) =	ssettag s2;
	_ =	strace s9  }
0x27: {  	s1 =	sld [smem:$0x3FAB]  }
0x28: {  	s2 =	sld [smem:$0x3FAC]  }
0x29: {  	s4 =	sld [smem:$0x3FAE]  }
0x2a: {  	p0 =	seq.s32 s5, $0x0;
	s5 =	sld [smem:$0x3FAF]  }
0x2b: {  	s6 =	sld [smem:$0x3FB0]  }
0x2c: {  	s7 =	sld [smem:$0x3FB1]  }
0x2d: {  	s3 =	simm.s32 $0x108;
	s8 =	sld [smem:$0x3FB2]  }
0x2e: {  	s3 =	simm.s32 @!p0 $0x1082;
	s9 =	sld [smem:$0x3FB3]  }
0x2f: {  	lr =	sadd.s32 s0, s3;
	s0 =	sld [smem:$0x3FAA]  }
0x30: {  	s3 =	sld [smem:$0x3FAD]  }
0x31: {  	[smem:$0x3FB6] =	sst s10  }
0x32: {  	s10 =	sld [smem:$0x3FB4];
	_ =	sdelay $0x3  }
0x33: {  	p0 =	seq.s32 s10, $0x1;
	s10 =	sld [smem:$0x3FB6];
	_ =	sdelay $0x3  }
0x34: {  	[smem:$0x3FB6] =	sst s10  }
0x35: {  	s10 =	sld [smem:$0x3FB5];
	_ =	sdelay $0x3  }
0x36: {  	p1 =	seq.s32 s10, $0x1;
	s10 =	sld [smem:$0x3FB6];
	_ =	sdelay $0x3  }
0x37: {  	[smem:$0x3FB6] =	sst s10  }
0x38: {  	s10 =	sld [smem:$0x3FB7]  }
0x39: {  	_ = 	snop;
	(pc) =	sbr.ind lr, $3  }
0x3a: {  	_ = 	snop  }
0x3b: {  	_ = 	snop  }
0x3c: {  	p2 =	seq.s32 s10, $0x1;
	s10 =	sld [smem:$0x3FB6]  }
0x3d: {  	_ =	shalt  }
0x3e: {  	_ =	shalt  }
0x3f: {  	_ =	shalt  }
0x40: {  	_ =	shalt  }
0x41: {  	_ =	shalt  }
0x42: {  	_ =	shalt  }
0x43: {  	_ =	shalt  }
0x44: {  	_ =	shalt  }
0x45: {  	_ =	shalt  }
0x46: {  	_ =	shalt  }
0x47: {  	_ =	shalt  }
0x48: {  	_ =	shalt  }
0x49: {  	_ =	shalt  }
0x4a: {  	_ =	shalt  }
0x4b: {  	_ =	shalt  }
0x4c: {  	_ =	shalt  }
0x4d: {  	_ =	shalt  }
0x4e: {  	_ =	shalt  }
0x4f: {  	_ =	shalt  }
0x50: {  	_ =	shalt  }
0x51: {  	_ =	shalt  }
0x52: {  	_ =	shalt  }
0x53: {  	_ =	shalt  }
0x54: {  	_ =	shalt  }
0x55: {  	_ =	shalt  }
0x56: {  	_ =	shalt  }
0x57: {  	_ =	shalt  }
0x58: {  	_ =	shalt  }
0x59: {  	_ =	shalt  }
0x5a: {  	_ =	shalt  }
0x5b: {  	_ =	shalt  }
0x5c: {  	_ =	shalt  }
0x5d: {  	_ =	shalt  }
0x5e: {  	_ =	shalt  }
0x5f: {  	_ =	shalt  }
0x60: {  	_ =	shalt  }
0x61: {  	_ =	shalt  }
0x62: {  	_ =	shalt  }
0x63: {  	_ =	shalt  }
0x64: {  	_ =	shalt  }
0x65: {  	_ =	shalt  }
0x66: {  	_ =	shalt  }
0x67: {  	_ =	shalt  }
0x68: {  	_ =	shalt  }
0x69: {  	_ =	shalt  }
0x6a: {  	_ =	shalt  }
0x6b: {  	_ =	shalt  }
0x6c: {  	_ =	shalt  }
0x6d: {  	_ =	shalt  }
0x6e: {  	_ =	shalt  }
0x6f: {  	_ =	shalt  }
0x70: {  	_ =	shalt  }
0x71: {  	_ =	shalt  }
0x72: {  	_ =	shalt  }
0x73: {  	_ =	shalt  }
0x74: {  	_ =	shalt  }
0x75: {  	_ =	shalt  }
0x76: {  	_ =	shalt  }
0x77: {  	_ =	shalt  }
0x78: {  	_ =	shalt  }
0x79: {  	_ =	shalt  }
0x7a: {  	_ =	shalt  }
0x7b: {  	_ =	shalt  }
0x7c: {  	_ =	shalt  }
0x7d: {  	_ =	shalt  }
0x7e: {  	_ =	shalt  }
0x7f: {  	_ =	shalt  }
0x80: {  	_ =	shalt  }
0x81: {  	_ =	shalt  }
0x82: {  	_ =	shalt  }
0x83: {  	_ =	shalt  }
0x84: {  	_ =	shalt  }
0x85: {  	_ =	shalt  }
0x86: {  	_ =	shalt  }
0x87: {  	_ =	shalt  }
.Lfunc_end0:
.L_simem_size_0:
called_computation.1_lowered:
.L_overlay_start_0:
0x88: {  	s2 =	sld [smem:$0x3FD9]  }
0x89: {  	s3 =	sld [smem:$0x3FFE];
	_ =	sdelay $0x1  }
0x8a: {  	s1 =	srdreg.scid  }
0x8b: {  	s0 =	sand.u32 $0x1, s1  }
0x8c: {  	s16 =	sshll.u32 s0, $0xA;
	s2 =	sadd.s32 s3, s2  }
0x8d: {  	s2 =	sadd.s32 s2, s16  }
0x8e: {  	[smem:$0x3FC2] =	sst s2  }
0x8f: {  	_ = 	snop  }
0x90: {  	(tm) =	ssettm $0x1  }
0x91: {  	s17 =	sld [smem:$0x3FFB];
	_ =	sdelay $0x3  }
0x92: {  	_ =	strace s17  }
0x93: {  	s2 =	sld [smem:$0x3FFC];
	_ =	sdelay $0x3  }
0x94: {  	_ =	strace s2  }
0x95: {  	s2 =	sld [smem:$0x3FFD];
	_ =	sdelay $0x3  }
0x96: {  	_ =	strace s2  }
0x97: {  	_ =	strace $0x8FFFFFFF  }
0x98: {  	s18 =	sld [smem:$0x3FDB];
	_ =	sdelay $0x1  }
0x99: {  	s19 =	simm.s32 $_scs_section_size  }
0x9a: {  	s4 =	simm.s32 $_size__tile_overlayer_lowered;
	s5 =	simm.s32 $_tile_overlayer_lowered  }
0x9b: {  	s22 =	simm.s32 $0x1BFF;
	s21 =	sshll.u32 s5, $0x1;
	s2 =	sadd.s32 s19, s18  }
0x9c: {  	s6 =	simm.s32 $0x0;
	s20 =	sshll.u32 s4, $0x1;
	s4 =	sadd.s32 s21, s2  }
0x9d: {  	[timem:s6], [sflag:s22] =	dma.local [hbm:s4], s20  }
0x9e: {  	_ =	swait.ge [sflag:s22], s20  }
0x9f: {  	s3 =	ssub.s32 $0x0, s20;
	[sflag:s22] =	ssyncset.done $0x0  }
0xa0: {  	[sflag:s22] =	ssyncadd.s32 s3;
	_ =	sdelay $0x1  }
0xa1: {  	s23 =	simm.s32 $0x1B8B  }
0xa2: {  	_ =	swait.ge [sflag:s23], $0x1  }
0xa3: {  	[sflag:s23] =	ssyncset.done $0x0  }
0xa4: {  	s25 =	simm.s32 $0x1B8E;
	s24 =	sld [smem:$0x3FFE];
	[sflag:s23] =	ssyncadd.s32 $0xFFFFFFFF  }
0xa5: {  	s26 =	simm.s32 $execute0_lowered;
	[smem:$0x3FD2] =	sst s25  }
0xa6: {  	s4 =	sshll.u32 s26, $0x1;
	_ =	strace $0x80000049;
	[dreg:$0x1] =	wrdreg $0xFFFFFFFF  }
0xa7: {  	s28 =	simm.s32 $_size_execute0_lowered;
	s2 =	sadd.s32 s2, s4;
	[dreg:$0x0] =	wrdreg $0x0  }
0xa8: {  	s4 =	sshll.u32 s28, $0x1;
	[dreg:$0x2] =	wrdreg s2  }
0xa9: {  	[dreg:$0x3] =	wrdreg s4  }
0xaa: {  	[dreg:$0x4] =	wrdreg $0xC0  }
0xab: {  	_ =	task [dreg:s6], $0x5FFFF  }
0xac: {  	[dreg:$0x1] =	wrdreg $0xFFFFFFFF  }
0xad: {  	[dreg:$0x0] =	wrdreg $0x60  }
0xae: {  	[dreg:$0x2] =	wrdreg s24  }
0xaf: {  	[dreg:$0x3] =	wrdreg $0x9  }
0xb0: {  	_ =	task.clear_ibuf [dreg:s6], $0x4FFFF;
	_ =	strace $0x90000049  }
0xb1: {  	s29 =	simm.s32 $0x9;
	_ =	strace $0x8000004B  }
0xb2: {  	_ =	swait.ge [sflag:s29], $0x1  }
0xb3: {  	[sflag:s29] =	ssyncadd.s32 $0xFFFFFFFF  }
0xb4: {  	_ =	strace $0x9000004B  }
0xb5: {  	_ =	sfence  }
0xb6: {  	s30 =	sld [smem:$0x0];
	_ =	sdelay $0x2  }
0xb7: {  	s31 =	sshll.u32 s1, $0xD;
	s1 =	sshrl.u32 s1, $0x2  }
0xb8: {  	s3 =	sand.u32 $0x4000, s31;
	s1 =	sadd.s32 s1, s30  }
0xb9: {  	s0 =	sor.u32 s3, s0;
	s1 =	sshll.u32 s1, $0x11  }
0xba: {  	s0 =	sor.u32 s1, s0  }
0xbb: {  	s0 =	sadd.s32 $0x8F2B, s0  }
0xbc: {  	[sflag:s0] =	ssyncadd.remote.s32 $0x1  }
0xbd: {  	_ =	sfence.sel $0xFFFF  }
0xbe: {  	[dreg:$0x0] =	wrdreg $0xFFFFFFFF;
	(pc) =	sbr.abs _section_cstart, $3  }
0xbf: {  	[dreg:$0x1] =	wrdreg $0xFFFFFFFF  }
0xc0: {  	_ =	task.clear_ibuf [dreg:s6], $0x2FFFF;
	_ =	strace $0x9FFFFFFF  }
0xc1: {  	(tm) =	ssettm $0x7FFFFFFF  }
tec
execute0_lowered:
.L_overlay_start_1:
0x0: {  	(tag) =	ssettag $0x1  }
0x1: {  	s4 =	rddreg [dreg:$0x0]  }
0x2: {  	s0 =	rddreg [dreg:$0x1]  }
0x3: {  	s3 =	srdreg.scid;
	s1 =	stileid.u32  }
0x4: {  	s2 =	simm.s32 $0x0;
	s9 =	simm.s32 $0x1;
	s10 =	simm.s32 $0x4000  }
0x5: {  	s11 =	simm.s32 $0x5000;
	s12 =	simm.s32 $0x0;
	s3 =	sand.u32 $0x1, s3  }
0x6: {  	s5 =	sshll.u32 s1, $0x8;
	s6 =	sshrl.u32 s1, $0x2;
	[smem:$0x7FF] =	sst s2  }
0x7: {  	s7 =	sshll.u32 s3, $0x7;
	s5 =	sand.u32 $0x300, s5;
	s30 =	sshll.u32 s6, $0xF  }
0x8: {  	_ =	strace $0x8000004A;
	s6 =	sshll.u32 s6, $0x11;
	s31 =	ssub.s32 $0x2, s3  }
0x9: {  	s3 =	sadd.s32 $0x5C00, s4;
	s5 =	sor.u32 s7, s5;
	s8 =	sshrl.u32 s31, $0x1  }
0xa: {  	s7 =	sor.u32 s30, s5;
	s5 =	sor.u32 s6, s5;
	s6 =	ssub.s32 s31, s8  }
0xb: {  	s8 =	simm.s32 $0x400;
	s7 =	sshrl.u32 s7, $0x3;
	s5 =	sshrl.u32 s5, $0x3  }
0xc: {  	s6 =	smax.u32 s6, $0x1;
	s7 =	sadd.s32 s7, s4;
	s5 =	sadd.s32 s5, s4  }
0xd: {  	s4 =	sadd.s32 $0x1C00, s7;
	s5 =	sadd.s32 $0x9C00, s5;
	s7 =	simm.s32 $0x80  }
.LBB2_1:
0xe: {  	[tilespmem:s2], [sflag:$0x1] =	stream.strided.gather [hbm4b:s3+s7], $0x4000, s8, s7, $0x38;
	[tilespmem:$0x9000] =	vst v63  }
0xf: {  	_ =	swait.ge [sflag:s9], $0x4000  }
0x10: {  	[sflag:s9] =	ssyncset.done $0x0  }
0x11: {  	[sflag:s9] =	ssyncadd.s32 $0xFFFFC000  }
0x12: {  	[tilespmem:s10], [sflag:$0x1] =	stream.strided.gather [hbm4b:s4+s7], $0x1000, s8, s7, $0x38;
	[tilespmem:$0x9000] =	vst v63  }
0x13: {  	_ =	swait.ge [sflag:s9], $0x1000  }
0x14: {  	[sflag:s9] =	ssyncset.done $0x0  }
0x15: {  	s13 =	simm.s32 $0x40;
	[sflag:s9] =	ssyncadd.s32 $0xFFFFF000  }
0x16: {  	v0 =	vld [tilespmem:s13+$0x30];
	_ =	sdelay $0x1  }
0x17: {  	v1 =	vld [tilespmem:s13+$0xFFFFFFD0];
	_ =	sdelay $0x1  }
0x18: {  	v2 =	vld [tilespmem:s13+$0xFFFFFFE0]  }
0x19: {  	v3 =	vld [tilespmem:s13+$0xFFFFFFF0];
	v4 =	vshrl.u32 v0, $0xC  }
0x1a: {  	v5 =	vld [tilespmem:s13+$0x0];
	v0 =	vand.u32 $0xFFF, v0  }
0x1b: {  	v7 =	vld [tilespmem:s13+$0xFFFFFFC0];
	v6 =	vshrl.u32 v1, $0xC  }
0x1c: {  	v8 =	vld [tilespmem:s13+$0x10];
	v1 =	vand.u32 $0xFFF, v1  }
0x1d: {  	v9 =	vld [tilespmem:s13+$0x20];
	v10 =	vshrl.u32 v2, $0xC  }
0x1e: {  	v2 =	vand.u32 $0xFFF, v2;
	v4 =	vld.idx.msk [tilespmem:v4+s10+$0x0], $0xffff  }
0x1f: {  	v11 =	vshrl.u32 v3, $0xC;
	v0 =	vld.idx.msk [tilespmem:v0+s10+$0x0], $0xffff  }
0x20: {  	v12 =	vshrl.u32 v7, $0xC;
	v6 =	vld.idx.msk [tilespmem:v6+s10+$0x0], $0xffff  }
0x21: {  	v7 =	vand.u32 $0xFFF, v7;
	v1 =	vld.idx.msk [tilespmem:v1+s10+$0x0], $0xffff  }
0x22: {  	v13 =	vand.u32 $0xFFF, v3;
	v10 =	vld.idx.msk [tilespmem:v10+s10+$0x0], $0xffff  }
0x23: {  	v16 =	vand.u32 $0xFFF, v5;
	v15 =	vld.idx.msk [tilespmem:v2+s10+$0x0], $0xffff  }
0x24: {  	v14 =	vshrl.u32 v5, $0xC;
	v2 =	vld.idx.msk [tilespmem:v11+s10+$0x0], $0xffff  }
0x25: {  	v11 =	vshrl.u32 v8, $0xC;
	v3 =	vld.idx.msk [tilespmem:v12+s10+$0x0], $0xffff  }
0x26: {  	v63 =	vand.u32 $0xFFF, v8;
	v7 =	vld.idx.msk [tilespmem:v7+s10+$0x0], $0xffff  }
0x27: {  	v5 =	vld.idx.msk [tilespmem:v13+s10+$0x0], $0xffff  }
0x28: {  	s13 =	simm.s32 $0x5040;
	v8 =	vld.idx.msk [tilespmem:v16+s10+$0x0], $0xffff;
	v0 =	vadd.s32 v4, v0  }
0x29: {  	v4 =	vld.idx.msk [tilespmem:v14+s10+$0x0], $0xffff;
	v10 =	vadd.s32 v10, v15;
	[tilespmem:s13+$0x30] =	vst v0  }
0x2a: {  	v0 =	vadd.s32 v6, v1;
	v6 =	vld.idx.msk [tilespmem:v11+s10+$0x0], $0xffff;
	[tilespmem:s13+$0xFFFFFFE0] =	vst v10  }
0x2b: {  	s14 =	simm.s32 $0x0;
	s15 =	simm.s32 $0xC0;
	v1 =	vshrl.u32 v9, $0xC;
	[tilespmem:s13+$0xFFFFFFD0] =	vst v0;
	v0 =	vand.u32 $0xFFF, v9;
	v9 =	vld.idx.msk [tilespmem:v63+s10+$0x0], $0xffff  }
.LBB2_2:
0x2c: {  	v10 =	vld [tilespmem:s15+$0x30];
	v3 =	vadd.s32 v3, v7  }
0x2d: {  	s14 =	sadd.s32 $0x8, s14;
	v2 =	vadd.s32 v2, v5;
	v7 =	vld [tilespmem:s15+$0xFFFFFFD0];
	[tilespmem:s13+$0xFFFFFFC0] =	vst v3  }
0x2e: {  	p0 =	slt.u32 s14, $0x3F8;
	v3 =	vld [tilespmem:s15+$0xFFFFFFE0];
	[tilespmem:s13+$0xFFFFFFF0] =	vst v2  }
0x2f: {  	v4 =	vadd.s32 v4, v8;
	v2 =	vld [tilespmem:s15+$0xFFFFFFF0]  }
0x30: {  	v5 =	vld [tilespmem:s15+$0x0];
	[tilespmem:s13+$0x0] =	vst v4  }
0x31: {  	v6 =	vadd.s32 v6, v9;
	v4 =	vld [tilespmem:s15+$0x10];
	v8 =	vshrl.u32 v10, $0xC  }
0x32: {  	v10 =	vand.u32 $0xFFF, v10;
	v9 =	vshrl.u32 v7, $0xC;
	v7 =	vand.u32 $0xFFF, v7;
	v11 =	vld [tilespmem:s15+$0x20];
	[tilespmem:s13+$0x10] =	vst v6  }
0x33: {  	v6 =	vld [tilespmem:s15+$0xFFFFFFC0];
	v12 =	vshrl.u32 v3, $0xC;
	v3 =	vand.u32 $0xFFF, v3  }
0x34: {  	v13 =	vshrl.u32 v2, $0xC;
	v14 =	vand.u32 $0xFFF, v2;
	v2 =	vld.idx.msk [tilespmem:v1+s10+$0x0], $0xffff  }
0x35: {  	v15 =	vshrl.u32 v5, $0xC;
	v16 =	vand.u32 $0xFFF, v5;
	v5 =	vld.idx.msk [tilespmem:v0+s10+$0x0], $0xffff  }
0x36: {  	v17 =	vshrl.u32 v4, $0xC;
	v18 =	vand.u32 $0xFFF, v4;
	v4 =	vld.idx.msk [tilespmem:v8+s10+$0x0], $0xffff  }
0x37: {  	v1 =	vshrl.u32 v11, $0xC;
	v0 =	vand.u32 $0xFFF, v11;
	v8 =	vld.idx.msk [tilespmem:v10+s10+$0x0], $0xffff  }
0x38: {  	v10 =	vshrl.u32 v6, $0xC;
	v6 =	vand.u32 $0xFFF, v6;
	v9 =	vld.idx.msk [tilespmem:v9+s10+$0x0], $0xffff  }
0x39: {  	v11 =	vld.idx.msk [tilespmem:v7+s10+$0x0], $0xffff  }
0x3a: {  	v12 =	vld.idx.msk [tilespmem:v12+s10+$0x0], $0xffff  }
0x3b: {  	v19 =	vld.idx.msk [tilespmem:v3+s10+$0x0], $0xffff;
	v3 =	vadd.s32 v2, v5  }
0x3c: {  	v2 =	vld.idx.msk [tilespmem:v13+s10+$0x0], $0xffff;
	[tilespmem:s13+$0x20] =	vst v3  }
0x3d: {  	v4 =	vadd.s32 v4, v8;
	s13 =	sadd.s32 $0x80, s13;
	v3 =	vld.idx.msk [tilespmem:v10+s10+$0x0], $0xffff  }
0x3e: {  	v7 =	vld.idx.msk [tilespmem:v6+s10+$0x0], $0xffff;
	[tilespmem:s13+$0x30] =	vst v4  }
.Ltmp0:
0x3f: {  	v4 =	vadd.s32 v9, v11;
	v5 =	vld.idx.msk [tilespmem:v14+s10+$0x0], $0xffff;
	(pc) =	sbr.rel @p0 .LBB2_2-.Ltmp0, $4  }
0x40: {  	[tilespmem:s13+$0xFFFFFFD0] =	vst v4;
	v4 =	vld.idx.msk [tilespmem:v15+s10+$0x0], $0xffff  }
0x41: {  	v6 =	vadd.s32 v12, v19;
	v8 =	vld.idx.msk [tilespmem:v16+s10+$0x0], $0xffff  }
0x42: {  	[tilespmem:s13+$0xFFFFFFE0] =	vst v6;
	v6 =	vld.idx.msk [tilespmem:v17+s10+$0x0], $0xffff  }
0x43: {  	s15 =	sadd.s32 $0x80, s15;
	v9 =	vld.idx.msk [tilespmem:v18+s10+$0x0], $0xffff  }
0x44: {  	_ =	sdelay $0x3  }
0x45: {  	v1 =	vld.idx.msk [tilespmem:v1+s10+$0x0], $0xffff  }
0x46: {  	v0 =	vld.idx.msk [tilespmem:v0+s10+$0x0], $0xffff  }
0x47: {  	v3 =	vadd.s32 v3, v7  }
0x48: {  	v2 =	vadd.s32 v2, v5;
	[tilespmem:s13+$0xFFFFFFC0] =	vst v3  }
0x49: {  	[tilespmem:s13+$0xFFFFFFF0] =	vst v2;
	v62 =	vadd.s32 v4, v8  }
0x4a: {  	s12 =	sadd.s32 $0x1, s12;
	[tilespmem:s13+$0x0] =	vst v62;
	v63 =	vadd.s32 v6, v9  }
0x4b: {  	p0 =	sne.s32 s12, s6;
	[tilespmem:s13+$0x10] =	vst v63;
	v0 =	vadd.s32 v1, v0  }
.Ltmp1:
0x4c: {  	[tilespmem:s13+$0x20] =	vst v0;
	(pc) =	sbr.rel @p0 .LBB2_1-.Ltmp1, $4  }
0x4d: {  	[hbm4b:s5+s7] =	stream.strided.scatter [tilespmem:s11], [sflag:$0x1], $0x4000, s8, s7, $0x38;
	[tilespmem:$0x9000] =	vst v63  }
0x4e: {  	_ =	swait.ge [sflag:s9], $0x4000  }
0x4f: {  	[sflag:s9] =	ssyncset.done $0x0  }
0x50: {  	[sflag:s9] =	ssyncadd.s32 $0xFFFFC000  }
0x51: {  	_ =	sfence.sel $0x180000  }
0x52: {  	[bflag:$0x0] =	sbarrier.arrive $0xFFFF  }
0x53: {  	p0 =	sne.s32 s1, $0x0;
	_ =	strace $0x9000004A  }
0x54: {  	s0 =	sadd.s32 @!p0 $0x100000, s0;
	[bflag:$0x2] =	sbarrier.arrive $0xFFFF  }
0x55: {  	[sflag:s0] =	ssyncadd.tile.s32 @!p0 $0x1;
	_ =	shalt  }
.Lfunc_end2:
_tile_overlayer_lowered:
.L_overlay_start_2:
0x56: {  	(tag) =	ssettag $0x2  }
0x57: {  	s0 =	rddreg [dreg:$0x0];
	s2 =	stileid.u32  }
0x58: {  	s1 =	rddreg [dreg:$0x1];
	p0 =	sne.s32 s2, $0x0  }
0x59: {  	s3 =	rddreg [dreg:$0x2];
	[bflag:$0x3] =	sbarrier.arrive $0xFFFF;
	s2 =	simm.s32 @!p0 $0x1C01  }
0x5a: {  	[timem:s3], [sflag:s2] =	dma.local @!p0 [hbm:s0], s1  }
0x5b: {  	s0 =	simm.s32 @!p0 $0x1  }
0x5c: {  	_ =	swait.ge @!p0 [sflag:s0], s1  }
0x5d: {  	s1 =	ssub.s32 @!p0 $0x0, s1;
	[sflag:s0] =	ssyncset.done @!p0 $0x0  }
0x5e: {  	[sflag:s0] =	ssyncadd.s32 @!p0 s1  }
0x5f: {  	[bflag:$0x3] =	sbarrier.arrive $0xFFFF  }
0x60: {  	_ =	shalt  }

// kernel: kernel.7.cloned.1.call-start
scs
__scs_entry_jumppad:
0x0: {  	(pc) =	sbr.rel $0x88, $3  }
0x1: {  	(tag) =	ssettag $0x0;
	lr =	simm.s32 $0x1  }
0x2: {  	[smem:$0x3F9B] =	sst lr;
	_ =	strace $0xD0000000  }
0x3: {  	_ = 	snop  }
0x4: {  	_ = 	snop  }
0x5: {  	_ = 	snop  }
0x6: {  	_ = 	snop  }
0x7: {  	_ = 	snop  }
__scs_overlays_trampoline_lowered:
0x8: {  	[smem:$0x3FAA] =	sst s0  }
0x9: {  	[smem:$0x3FAB] =	sst s1  }
0xa: {  	[smem:$0x3FAC] =	sst s2  }
0xb: {  	[smem:$0x3FAD] =	sst s3  }
0xc: {  	[smem:$0x3FAE] =	sst s4  }
0xd: {  	[smem:$0x3FAF] =	sst s5  }
0xe: {  	[smem:$0x3FB0] =	sst s6  }
0xf: {  	[smem:$0x3FB1] =	sst s7  }
0x10: {  	[smem:$0x3FB2] =	sst s8  }
0x11: {  	[smem:$0x3FB3] =	sst s9;
	s0 =	simm.s32 @!p0 $0x0  }
0x12: {  	s1 =	sld [smem:$0x3F99];
	s0 =	simm.s32 @p0 $0x1  }
0x13: {  	[smem:$0x3FB4] =	sst s0;
	s0 =	simm.s32 @!p1 $0x0  }
0x14: {  	s2 =	sld [smem:$0x3F98];
	s0 =	simm.s32 @p1 $0x1  }
0x15: {  	[smem:$0x3FB5] =	sst s0;
	s0 =	simm.s32 @!p2 $0x0  }
0x16: {  	s3 =	sld [smem:$0x3FDB];
	s0 =	simm.s32 @p2 $0x1  }
0x17: {  	s4 =	simm.s32 $0x1BF5;
	[smem:$0x3FB7] =	sst s0  }
0x18: {  	s0 =	sld [smem:$0x3F9A];
	_ =	swait.ge [sflag:s4], $0x0  }
0x19: {  	s7 =	sld [smem:$0x3F9B]  }
0x1a: {  	s8 =	sadd.s32 $0xFFFFE003, lr  }
0x1b: {  	s9 =	sadd.s32 $0xFFFFFEF7, lr;
	s5 =	simm.s32 $0xFFFFFFFF;
	p2 =	slt.u32 s8, $0xFFFFF086  }
0x1c: {  	p1 =	slt.u32 s9, $0xF7A;
	s5 =	simm.s32 @!p2 $0x0  }
0x1d: {  	s5 =	simm.s32 @p1 $0x1;
	p0 =	seq.s32 s7, s2  }
0x1e: {  	s7 =	smul.u32 @!p0 $0xF7A, s2;
	p2 =	seq.s32 @!p0 s5, $0x0  }
0x1f: {  	s9 =	smul.u32 $0xF7A, s1;
	s8 =	simm.s32 @!p0 $0x1BF5;
	p2 =	por !p2, p0  }
0x20: {  	[sflag:s8] =	ssyncset.s32 @!p0 $0xFFFFF086;
	s6 =	sadd.s32 @!p0 s3, s7;
	s7 =	simm.s32 @!p0 $0x108  }
0x21: {  	s3 =	sadd.s32 s3, s9;
	s6 =	sadd.s32 @!p0 $0x88, s6;
	s7 =	simm.s32 @p2 $0x1082  }
0x22: {  	[simem:s7], [sflag:s8] =	dma.local @!p0 [hbm:s6], $0xF7A  }
0x23: {  	s9 =	sor.u32 $0xD0000000, s2;
	s6 =	simm.s32 $0x108;
	_ =	swait.ge @!p0 [sflag:s8], $0x0  }
0x24: {  	s3 =	sadd.s32 $0x88, s3;
	s6 =	simm.s32 @!p1 $0x1082;
	[sflag:s4] =	ssyncset.s32 $0xFFFFF086  }
0x25: {  	[simem:s6], [sflag:s4] =	dma.local [hbm:s3], $0xF7A  }
0x26: {  	[smem:$0x3F9B] =	sst s1;
	(tag) =	ssettag s2;
	_ =	strace s9  }
0x27: {  	s1 =	sld [smem:$0x3FAB]  }
0x28: {  	s2 =	sld [smem:$0x3FAC]  }
0x29: {  	s4 =	sld [smem:$0x3FAE]  }
0x2a: {  	p0 =	seq.s32 s5, $0x0;
	s5 =	sld [smem:$0x3FAF]  }
0x2b: {  	s6 =	sld [smem:$0x3FB0]  }
0x2c: {  	s7 =	sld [smem:$0x3FB1]  }
0x2d: {  	s3 =	simm.s32 $0x108;
	s8 =	sld [smem:$0x3FB2]  }
0x2e: {  	s3 =	simm.s32 @!p0 $0x1082;
	s9 =	sld [smem:$0x3FB3]  }
0x2f: {  	lr =	sadd.s32 s0, s3;
	s0 =	sld [smem:$0x3FAA]  }
0x30: {  	s3 =	sld [smem:$0x3FAD]  }
0x31: {  	[smem:$0x3FB6] =	sst s10  }
0x32: {  	s10 =	sld [smem:$0x3FB4];
	_ =	sdelay $0x3  }
0x33: {  	p0 =	seq.s32 s10, $0x1;
	s10 =	sld [smem:$0x3FB6];
	_ =	sdelay $0x3  }
0x34: {  	[smem:$0x3FB6] =	sst s10  }
0x35: {  	s10 =	sld [smem:$0x3FB5];
	_ =	sdelay $0x3  }
0x36: {  	p1 =	seq.s32 s10, $0x1;
	s10 =	sld [smem:$0x3FB6];
	_ =	sdelay $0x3  }
0x37: {  	[smem:$0x3FB6] =	sst s10  }
0x38: {  	s10 =	sld [smem:$0x3FB7]  }
0x39: {  	_ = 	snop;
	(pc) =	sbr.ind lr, $3  }
0x3a: {  	_ = 	snop  }
0x3b: {  	_ = 	snop  }
0x3c: {  	p2 =	seq.s32 s10, $0x1;
	s10 =	sld [smem:$0x3FB6]  }
0x3d: {  	_ =	shalt  }
0x3e: {  	_ =	shalt  }
0x3f: {  	_ =	shalt  }
0x40: {  	_ =	shalt  }
0x41: {  	_ =	shalt  }
0x42: {  	_ =	shalt  }
0x43: {  	_ =	shalt  }
0x44: {  	_ =	shalt  }
0x45: {  	_ =	shalt  }
0x46: {  	_ =	shalt  }
0x47: {  	_ =	shalt  }
0x48: {  	_ =	shalt  }
0x49: {  	_ =	shalt  }
0x4a: {  	_ =	shalt  }
0x4b: {  	_ =	shalt  }
0x4c: {  	_ =	shalt  }
0x4d: {  	_ =	shalt  }
0x4e: {  	_ =	shalt  }
0x4f: {  	_ =	shalt  }
0x50: {  	_ =	shalt  }
0x51: {  	_ =	shalt  }
0x52: {  	_ =	shalt  }
0x53: {  	_ =	shalt  }
0x54: {  	_ =	shalt  }
0x55: {  	_ =	shalt  }
0x56: {  	_ =	shalt  }
0x57: {  	_ =	shalt  }
0x58: {  	_ =	shalt  }
0x59: {  	_ =	shalt  }
0x5a: {  	_ =	shalt  }
0x5b: {  	_ =	shalt  }
0x5c: {  	_ =	shalt  }
0x5d: {  	_ =	shalt  }
0x5e: {  	_ =	shalt  }
0x5f: {  	_ =	shalt  }
0x60: {  	_ =	shalt  }
0x61: {  	_ =	shalt  }
0x62: {  	_ =	shalt  }
0x63: {  	_ =	shalt  }
0x64: {  	_ =	shalt  }
0x65: {  	_ =	shalt  }
0x66: {  	_ =	shalt  }
0x67: {  	_ =	shalt  }
0x68: {  	_ =	shalt  }
0x69: {  	_ =	shalt  }
0x6a: {  	_ =	shalt  }
0x6b: {  	_ =	shalt  }
0x6c: {  	_ =	shalt  }
0x6d: {  	_ =	shalt  }
0x6e: {  	_ =	shalt  }
0x6f: {  	_ =	shalt  }
0x70: {  	_ =	shalt  }
0x71: {  	_ =	shalt  }
0x72: {  	_ =	shalt  }
0x73: {  	_ =	shalt  }
0x74: {  	_ =	shalt  }
0x75: {  	_ =	shalt  }
0x76: {  	_ =	shalt  }
0x77: {  	_ =	shalt  }
0x78: {  	_ =	shalt  }
0x79: {  	_ =	shalt  }
0x7a: {  	_ =	shalt  }
0x7b: {  	_ =	shalt  }
0x7c: {  	_ =	shalt  }
0x7d: {  	_ =	shalt  }
0x7e: {  	_ =	shalt  }
0x7f: {  	_ =	shalt  }
0x80: {  	_ =	shalt  }
0x81: {  	_ =	shalt  }
0x82: {  	_ =	shalt  }
0x83: {  	_ =	shalt  }
0x84: {  	_ =	shalt  }
0x85: {  	_ =	shalt  }
0x86: {  	_ =	shalt  }
0x87: {  	_ =	shalt  }
.Lfunc_end0:
.L_simem_size_0:
called_computation_lowered:
.L_overlay_start_0:
0x88: {  	s2 =	sld [smem:$0x3FD9]  }
0x89: {  	s3 =	sld [smem:$0x3FFE];
	_ =	sdelay $0x1  }
0x8a: {  	s1 =	srdreg.scid  }
0x8b: {  	s0 =	sand.u32 $0x1, s1  }
0x8c: {  	s17 =	sshll.u32 s0, $0xA;
	s2 =	sadd.s32 s3, s2  }
0x8d: {  	s2 =	sadd.s32 s2, s17  }
0x8e: {  	[smem:$0x3FC2] =	sst s2  }
0x8f: {  	_ = 	snop  }
0x90: {  	s2 =	sld [smem:$0x3FC8]  }
0x91: {  	s18 =	sld [smem:$0x3FD0];
	(tm) =	ssettm $0x1  }
0x92: {  	s4 =	sld [smem:$0x3FFB];
	_ =	sdelay $0x3  }
0x93: {  	_ =	strace s4  }
0x94: {  	s4 =	sld [smem:$0x3FFC];
	_ =	sdelay $0x3  }
0x95: {  	_ =	strace s4  }
0x96: {  	s4 =	sld [smem:$0x3FFD];
	_ =	sdelay $0x3  }
0x97: {  	_ =	strace s4  }
0x98: {  	_ =	strace $0x8FFFFFFF  }
0x99: {  	s19 =	sld [smem:$0x3FDB];
	_ =	sdelay $0x1  }
0x9a: {  	s5 =	simm.s32 $_scs_section_size  }
0x9b: {  	s6 =	simm.s32 $_size__tile_overlayer_lowered;
	s7 =	simm.s32 $_tile_overlayer_lowered  }
0x9c: {  	s22 =	simm.s32 $0x1BFF;
	s21 =	sshll.u32 s7, $0x1;
	s4 =	sadd.s32 s5, s19  }
0x9d: {  	s8 =	simm.s32 $0x0;
	s20 =	sshll.u32 s6, $0x1;
	s6 =	sadd.s32 s21, s4  }
0x9e: {  	[timem:s8], [sflag:s22] =	dma.local [hbm:s6], s20  }
0x9f: {  	_ =	swait.ge [sflag:s22], s20  }
0xa0: {  	s5 =	ssub.s32 $0x0, s20;
	[sflag:s22] =	ssyncset.done $0x0  }
0xa1: {  	[sflag:s22] =	ssyncadd.s32 s5;
	_ =	sdelay $0x1  }
0xa2: {  	s23 =	simm.s32 $0x1B8B  }
0xa3: {  	_ =	swait.ge [sflag:s23], $0x1  }
0xa4: {  	[sflag:s23] =	ssyncset.done $0x0  }
0xa5: {  	s25 =	simm.s32 $0x1B8E;
	s24 =	sld [smem:$0x3FFE];
	[sflag:s23] =	ssyncadd.s32 $0xFFFFFFFF  }
0xa6: {  	s26 =	simm.s32 $execute0_lowered;
	[smem:$0x3FD2] =	sst s25  }
0xa7: {  	s6 =	sshll.u32 s26, $0x1;
	_ =	strace $0x80000046;
	[dreg:$0x1] =	wrdreg $0xFFFFFFFF  }
0xa8: {  	s28 =	simm.s32 $_size_execute0_lowered;
	s4 =	sadd.s32 s4, s6;
	[dreg:$0x0] =	wrdreg $0x0  }
0xa9: {  	s6 =	sshll.u32 s28, $0x1;
	[dreg:$0x2] =	wrdreg s4  }
0xaa: {  	[dreg:$0x3] =	wrdreg s6  }
0xab: {  	[dreg:$0x4] =	wrdreg $0xC0  }
0xac: {  	_ =	task [dreg:s8], $0x5FFFF  }
0xad: {  	[dreg:$0x1] =	wrdreg $0xFFFFFFFF  }
0xae: {  	[dreg:$0x0] =	wrdreg $0x60  }
0xaf: {  	[dreg:$0x2] =	wrdreg s2  }
0xb0: {  	[dreg:$0x3] =	wrdreg s18  }
0xb1: {  	[dreg:$0x4] =	wrdreg s24  }
0xb2: {  	[dreg:$0x5] =	wrdreg $0x9  }
0xb3: {  	_ =	task.clear_ibuf [dreg:s8], $0x6FFFF;
	_ =	strace $0x90000046  }
0xb4: {  	s29 =	simm.s32 $0x9;
	_ =	strace $0x80000048  }
0xb5: {  	_ =	swait.ge [sflag:s29], $0x1  }
0xb6: {  	[sflag:s29] =	ssyncadd.s32 $0xFFFFFFFF  }
0xb7: {  	_ =	strace $0x90000048  }
0xb8: {  	_ =	sfence  }
0xb9: {  	s30 =	sld [smem:$0x0];
	_ =	sdelay $0x2  }
0xba: {  	s31 =	sshll.u32 s1, $0xD;
	s1 =	sshrl.u32 s1, $0x2  }
0xbb: {  	s3 =	sand.u32 $0x4000, s31;
	s1 =	sadd.s32 s1, s30  }
0xbc: {  	s0 =	sor.u32 s3, s0;
	s1 =	sshll.u32 s1, $0x11  }
0xbd: {  	s0 =	sor.u32 s1, s0  }
0xbe: {  	s0 =	sadd.s32 $0x8F2B, s0  }
0xbf: {  	[sflag:s0] =	ssyncadd.remote.s32 $0x1  }
0xc0: {  	_ =	sfence.sel $0xFFFF  }
0xc1: {  	[dreg:$0x0] =	wrdreg $0xFFFFFFFF;
	(pc) =	sbr.abs _section_cstart, $3  }
0xc2: {  	[dreg:$0x1] =	wrdreg $0xFFFFFFFF  }
0xc3: {  	_ =	task.clear_ibuf [dreg:s8], $0x2FFFF;
	_ =	strace $0x9FFFFFFF  }
0xc4: {  	(tm) =	ssettm $0x7FFFFFFF  }
0xc5: {  	_ =	shalt  }
tec
execute0_lowered:
.L_overlay_start_1:
0x0: {  	(tag) =	ssettag $0x1  }
0x1: {  	s1 =	rddreg [dreg:$0x0]  }
0x2: {  	s0 =	rddreg [dreg:$0x1]  }
0x3: {  	s2 =	rddreg [dreg:$0x2];
	s3 =	simm.s32 $0x0  }
0x4: {  	s4 =	srdreg.scid;
	s8 =	stileid.u32;
	s22 =	simm.s32 $0x2  }
0x5: {  	s23 =	simm.s32 $0x80;
	s29 =	simm.s32 $0x7080;
	s30 =	simm.s32 $0x7880  }
0x6: {  	s31 =	simm.s32 $0x1;
	s24 =	simm.s32 $0x0;
	[smem:$0x7FF] =	sst s3  }
0x7: {  	s4 =	sand.u32 $0x1, s4;
	s5 =	sshll.u32 s8, $0xA;
	s8 =	sshll.u32 s8, $0x1  }
0x8: {  	s9 =	sadd.s32 $0x500, s1;
	s10 =	sadd.s32 $0x600, s1;
	s11 =	sadd.s32 $0x700, s1  }
0x9: {  	s12 =	sadd.s32 $0x800, s1;
	s13 =	sadd.s32 $0x900, s1;
	s14 =	sadd.s32 $0xA00, s1  }
0xa: {  	s16 =	sadd.s32 $0xC00, s1;
	s17 =	sadd.s32 $0xD00, s1;
	s18 =	sadd.s32 $0xE00, s1  }
0xb: {  	s19 =	sadd.s32 $0xF00, s1;
	_ =	strace $0x80000047;
	s6 =	ssub.s32 $0x2, s4  }
0xc: {  	s5 =	sand.u32 $0x3000, s5;
	s15 =	sor.u32 s4, s8;
	s8 =	sadd.s32 $0x400, s1  }
0xd: {  	s7 =	sshrl.u32 s6, $0x1;
	s2 =	sadd.s32 s5, s2;
	s4 =	sadd.s32 s0, s15  }
0xe: {  	s5 =	sadd.s32 $0x100, s1;
	s28 =	sshll.u32 s15, $0x4;
	s15 =	sadd.s32 $0xB00, s1  }
0xf: {  	v0 =	vlaneseq.u32;
	s21 =	ssub.s32 s6, s7;
	s6 =	sadd.s32 $0x200, s1;
	s0 =	sand.u32 $0x70, s28  }
0x10: {  	v1 =	vshrl.u32 v0, $0x3;
	s7 =	sadd.s32 $0x300, s1;
	s0 =	sadd.s32 s0, s2;
	s21 =	smax.u32 s21, $0x1  }
0x11: {  	vm0 =	vmmov $0xffff;
	v0 =	vand.u32 $0x7, v0;
	v1 =	vmul.u32 $0x8, v1;
	s2 =	simm.s32 $0x8080;
	s20 =	sadd.s32 $0x1C00, s0;
	s0 =	simm.s32 $0x400  }
.LBB2_1:
0x12: {  	[tilespmem:s3], [sflag:$0x2] =	stream.linear.gather [hbm4b:s4+s3], $0x8, $0x38;
	[tilespmem:$0x9080] =	vst v63  }
0x13: {  	_ =	swait.ge [sflag:s22], $0x8  }
0x14: {  	[sflag:s22] =	ssyncset.done $0x0  }
0x15: {  	[sflag:s22] =	ssyncadd.s32 $0xFFFFFFF8  }
0x16: {  	v2 =	vld.msk [tilespmem:$0x0], $0xff;
	_ =	sdelay $0x4  }
0x17: {  	v3 =	vshll.u32 v2, $0x5  }
0x18: {  	v2 =	vand.u32 $0x7, v2;
	v3 =	vand.u32 $0xFFFFFF00, v3  }
0x19: {  	v2 =	vor.u32 v2, v3  }
0x1a: {  	v2 =	vperm.xlane v2, v0;
	_ =	sdelay $0x1  }
0x1b: {  	v2 =	vadd.s32 v1, v2;
	_ =	sdelay $0x4  }
0x1c: {  	[tilespmem:s23], [sflag:$0x1] =	stream.indirect_vreg.gather [hbm4b:s1+s3], $0x80, v2, vm0, $0xb8;
	[tilespmem:$0x9080] =	vst v63  }
0x1d: {  	s25 =	simm.s32 $0x880  }
0x1e: {  	[tilespmem:s25], [sflag:$0x1] =	stream.indirect_vreg.gather [hbm4b:s5+s3], $0x80, v2, vm0, $0xb8;
	[tilespmem:$0x9080] =	vst v63  }
0x1f: {  	s26 =	simm.s32 $0x1080  }
0x20: {  	[tilespmem:s26], [sflag:$0x1] =	stream.indirect_vreg.gather [hbm4b:s6+s3], $0x80, v2, vm0, $0xb8;
	[tilespmem:$0x9080] =	vst v63  }
0x21: {  	s26 =	simm.s32 $0x1880  }
0x22: {  	[tilespmem:s26], [sflag:$0x1] =	stream.indirect_vreg.gather [hbm4b:s7+s3], $0x80, v2, vm0, $0xb8;
	[tilespmem:$0x9080] =	vst v63  }
0x23: {  	s26 =	simm.s32 $0x2080  }
0x24: {  	[tilespmem:s26], [sflag:$0x1] =	stream.indirect_vreg.gather [hbm4b:s8+s3], $0x80, v2, vm0, $0xb8;
	[tilespmem:$0x9080] =	vst v63  }
0x25: {  	s26 =	simm.s32 $0x2880  }
0x26: {  	[tilespmem:s26], [sflag:$0x1] =	stream.indirect_vreg.gather [hbm4b:s9+s3], $0x80, v2, vm0, $0xb8;
	[tilespmem:$0x9080] =	vst v63  }
0x27: {  	s26 =	simm.s32 $0x3080  }
0x28: {  	[tilespmem:s26], [sflag:$0x1] =	stream.indirect_vreg.gather [hbm4b:s10+s3], $0x80, v2, vm0, $0xb8;
	[tilespmem:$0x9080] =	vst v63  }
0x29: {  	s26 =	simm.s32 $0x3880  }
0x2a: {  	[tilespmem:s26], [sflag:$0x1] =	stream.indirect_vreg.gather [hbm4b:s11+s3], $0x80, v2, vm0, $0xb8;
	[tilespmem:$0x9080] =	vst v63  }
0x2b: {  	s26 =	simm.s32 $0x4080  }
0x2c: {  	[tilespmem:s26], [sflag:$0x1] =	stream.indirect_vreg.gather [hbm4b:s12+s3], $0x80, v2, vm0, $0xb8;
	[tilespmem:$0x9080] =	vst v63  }
0x2d: {  	s26 =	simm.s32 $0x4880  }
0x2e: {  	[tilespmem:s26], [sflag:$0x1] =	stream.indirect_vreg.gather [hbm4b:s13+s3], $0x80, v2, vm0, $0xb8;
	[tilespmem:$0x9080] =	vst v63  }
0x2f: {  	s26 =	simm.s32 $0x5080  }
0x30: {  	[tilespmem:s26], [sflag:$0x1] =	stream.indirect_vreg.gather [hbm4b:s14+s3], $0x80, v2, vm0, $0xb8;
	[tilespmem:$0x9080] =	vst v63  }
0x31: {  	s26 =	simm.s32 $0x5880  }
0x32: {  	[tilespmem:s26], [sflag:$0x1] =	stream.indirect_vreg.gather [hbm4b:s15+s3], $0x80, v2, vm0, $0xb8;
	[tilespmem:$0x9080] =	vst v63  }
0x33: {  	s26 =	simm.s32 $0x6080  }
0x34: {  	[tilespmem:s26], [sflag:$0x1] =	stream.indirect_vreg.gather [hbm4b:s16+s3], $0x80, v2, vm0, $0xb8;
	[tilespmem:$0x9080] =	vst v63  }
0x35: {  	s26 =	simm.s32 $0x6880  }
0x36: {  	[tilespmem:s26], [sflag:$0x1] =	stream.indirect_vreg.gather [hbm4b:s17+s3], $0x80, v2, vm0, $0xb8;
	[tilespmem:$0x9080] =	vst v63  }
0x37: {  	_ = 	snop  }
0x38: {  	[tilespmem:s29], [sflag:$0x1] =	stream.indirect_vreg.gather [hbm4b:s18+s3], $0x80, v2, vm0, $0xb8;
	[tilespmem:$0x9080] =	vst v63  }
0x39: {  	_ = 	snop  }
0x3a: {  	[tilespmem:s30], [sflag:$0x1] =	stream.indirect_vreg.gather [hbm4b:s19+s3], $0x80, v2, vm0, $0xb8;
	[tilespmem:$0x9080] =	vst v63  }
0x3b: {  	_ =	swait.ge [sflag:s31], $0x8000  }
0x3c: {  	[sflag:s31] =	ssyncset.done $0x0  }
0x3d: {  	s28 =	simm.s32 $0x280;
	[sflag:s31] =	ssyncadd.s32 $0xFFFF8000  }
0x3e: {  	v2 =	vld [tilespmem:s28+$0x170]  }
0x3f: {  	v3 =	vld [tilespmem:s28+$0x1F0]  }
0x40: {  	v4 =	vld [tilespmem:s28+$0xFFFFFE70]  }
0x41: {  	v5 =	vld [tilespmem:s28+$0xFFFFFEF0]  }
0x42: {  	v6 =	vld [tilespmem:s28+$0x70]  }
0x43: {  	v7 =	vld [tilespmem:s28+$0xFFFFFF70]  }
0x44: {  	v8 =	vld [tilespmem:s28+$0xFFFFFFF0]  }
0x45: {  	v9 =	vld [tilespmem:s28+$0xF0]  }
0x46: {  	v10 =	vld [tilespmem:s28+$0xFFFFFF00]  }
0x47: {  	v11 =	vld [tilespmem:s28+$0xFFFFFF80]  }
0x48: {  	v12 =	vld [tilespmem:s28+$0xFFFFFF10]  }
0x49: {  	v13 =	vld [tilespmem:s28+$0xFFFFFF90]  }
0x4a: {  	v14 =	vld [tilespmem:s28+$0xFFFFFF20]  }
0x4b: {  	v15 =	vld [tilespmem:s28+$0xFFFFFFA0]  }
0x4c: {  	v16 =	vld [tilespmem:s28+$0xFFFFFF30]  }
0x4d: {  	v17 =	vld [tilespmem:s28+$0xFFFFFFB0]  }
0x4e: {  	v18 =	vld [tilespmem:s28+$0xFFFFFF40]  }
0x4f: {  	v19 =	vld [tilespmem:s28+$0xFFFFFFC0]  }
0x50: {  	v20 =	vld [tilespmem:s28+$0xFFFFFF50]  }
0x51: {  	v21 =	vld [tilespmem:s28+$0xFFFFFFD0]  }
0x52: {  	v22 =	vld [tilespmem:s28+$0xFFFFFF60]  }
0x53: {  	v23 =	vld [tilespmem:s28+$0xFFFFFE10];
	v2 =	vadd.f32 v3, v2  }
0x54: {  	v24 =	vld [tilespmem:s28+$0xFFFFFE90];
	v4 =	vadd.f32 v5, v4;
	v5 =	vadd.f32 v8, v7  }
0x55: {  	v6 =	vadd.f32 v9, v6;
	v10 =	vadd.f32 v11, v10;
	v11 =	vld [tilespmem:s28+$0x10]  }
0x56: {  	v12 =	vadd.f32 v13, v12;
	v13 =	vld [tilespmem:s28+$0x90];
	v2 =	vtrunc.f32 v2;
	v4 =	vtrunc.f32 v4  }
0x57: {  	v3 =	vld [tilespmem:s28+$0xFFFFFFE0];
	v14 =	vadd.f32 v15, v14;
	v5 =	vtrunc.f32 v5;
	v6 =	vtrunc.f32 v6  }
0x58: {  	v8 =	vld [tilespmem:s28+$0x0];
	v10 =	vtrunc.f32 v10;
	v12 =	vtrunc.f32 v12  }
0x59: {  	v9 =	vld [tilespmem:s28+$0x80];
	v14 =	vtrunc.f32 v14;
	v5 =	vcvt.f32.s32 v5  }
0x5a: {  	v15 =	vld [tilespmem:s28+$0xFFFFFEA0];
	v4 =	vcvt.f32.s32 v4;
	v6 =	vcvt.f32.s32 v6  }
0x5b: {  	v2 =	vcvt.f32.s32 v2;
	v5 =	vshll.u32 v5, $0x4;
	v11 =	vadd.f32 v13, v11;
	v13 =	vld [tilespmem:s28+$0xFFFFFE30]  }
0x5c: {  	v56 =	vadd.f32 v3, v22;
	v3 =	vld [tilespmem:s28+$0xFFFFFEB0];
	v4 =	vor.u32 v4, v5;
	v5 =	vshll.u32 v6, $0x8  }
0x5d: {  	v12 =	vcvt.f32.s32 v12;
	v2 =	vshll.u32 v2, $0xC;
	v4 =	vor.u32 v5, v4;
	v5 =	vld [tilespmem:s28+$0xFFFFFE20]  }
0x5e: {  	v8 =	vadd.f32 v9, v8;
	v6 =	vor.u32 v2, v4;
	v2 =	vadd.f32 v17, v16;
	v17 =	vld [tilespmem:s28+$0x20]  }
0x5f: {  	v10 =	vcvt.f32.s32 v10;
	v14 =	vcvt.f32.s32 v14;
	v4 =	vadd.f32 v19, v18;
	v19 =	vld [tilespmem:s28+$0xA0]  }
0x60: {  	v11 =	vtrunc.f32 v11;
	v8 =	vtrunc.f32 v8;
	v18 =	vadd.f32 v24, v23  }
0x61: {  	v60 =	vld [tilespmem:s28+$0xFFFFFE00];
	v12 =	vshll.u32 v12, $0x4;
	v11 =	vcvt.f32.s32 v11;
	v8 =	vcvt.f32.s32 v8  }
0x62: {  	v16 =	vadd.f32 v21, v20;
	v2 =	vtrunc.f32 v2;
	v9 =	vtrunc.f32 v18;
	v18 =	vld [tilespmem:s28+$0x30]  }
0x63: {  	v4 =	vtrunc.f32 v4;
	v9 =	vcvt.f32.s32 v9;
	v5 =	vadd.f32 v15, v5;
	v15 =	vld [tilespmem:s28+$0xB0]  }
0x64: {  	v3 =	vadd.f32 v3, v13;
	v16 =	vtrunc.f32 v16;
	v17 =	vadd.f32 v19, v17;
	v19 =	vld [tilespmem:s28+$0xFFFFFE40]  }
0x65: {  	v57 =	vcvt.f32.s32 v2;
	v2 =	vor.u32 v9, v12;
	v9 =	vshll.u32 v11, $0x8;
	v11 =	vld [tilespmem:s28+$0xFFFFFEC0]  }
0x66: {  	v13 =	vld [tilespmem:s28+$0xC0];
	v5 =	vtrunc.f32 v5;
	v2 =	vor.u32 v9, v2;
	v9 =	vtrunc.f32 v17  }
0x67: {  	v14 =	vshll.u32 v14, $0x4;
	v12 =	vld [tilespmem:s28+$0x40];
	v5 =	vcvt.f32.s32 v5;
	v9 =	vcvt.f32.s32 v9  }
0x68: {  	v4 =	vcvt.f32.s32 v4;
	v16 =	vcvt.f32.s32 v16;
	v15 =	vadd.f32 v15, v18;
	v18 =	vld [tilespmem:s28+$0xFFFFFE50]  }
0x69: {  	v58 =	vtrunc.f32 v3;
	v5 =	vor.u32 v5, v14;
	v14 =	vld [tilespmem:s28+$0xFFFFFED0];
	v9 =	vshll.u32 v9, $0x8  }
0x6a: {  	v11 =	vadd.f32 v11, v19;
	v19 =	vld [tilespmem:s28+$0xD0];
	v3 =	vor.u32 v9, v5;
	v5 =	vtrunc.f32 v15  }
0x6b: {  	v61 =	vshll.u32 v10, $0x4;
	v9 =	vld [tilespmem:s28+$0x50];
	v15 =	vcvt.f32.s32 v58;
	v5 =	vcvt.f32.s32 v5  }
0x6c: {  	v59 =	vshll.u32 v4, $0x4;
	v17 =	vshll.u32 v57, $0x4;
	v12 =	vadd.f32 v13, v12;
	v13 =	vld [tilespmem:s28+$0xFFFFFE60]  }
0x6d: {  	v11 =	vtrunc.f32 v11;
	v4 =	vor.u32 v15, v17;
	v15 =	vld [tilespmem:s28+$0xFFFFFEE0];
	v5 =	vshll.u32 v5, $0x8  }
0x6e: {  	v14 =	vadd.f32 v14, v18;
	v18 =	vld [tilespmem:s28+$0xE0];
	v4 =	vor.u32 v5, v4;
	v5 =	vtrunc.f32 v12  }
0x6f: {  	v16 =	vshll.u32 v16, $0x4;
	v11 =	vcvt.f32.s32 v11;
	v12 =	vld [tilespmem:s28+$0x60];
	v5 =	vcvt.f32.s32 v5  }
0x70: {  	v7 =	vld [tilespmem:s28+$0xFFFFFE80];
	v17 =	vtrunc.f32 v56;
	v14 =	vtrunc.f32 v14;
	v9 =	vadd.f32 v19, v9  }
0x71: {  	v11 =	vor.u32 v11, v59;
	v19 =	vld [tilespmem:s28+$0x100];
	v14 =	vcvt.f32.s32 v14;
	v5 =	vshll.u32 v5, $0x8  }
0x72: {  	v17 =	vcvt.f32.s32 v17;
	v9 =	vtrunc.f32 v9;
	v5 =	vor.u32 v5, v11;
	v11 =	vld [tilespmem:s28+$0x180]  }
0x73: {  	v13 =	vadd.f32 v15, v13;
	v15 =	vld [tilespmem:s28+$0x110];
	v10 =	vor.u32 v14, v16;
	v9 =	vcvt.f32.s32 v9  }
0x74: {  	v14 =	vld [tilespmem:s28+$0x190];
	v16 =	vshll.u32 v17, $0x4;
	v17 =	vshll.u32 v8, $0x8;
	v8 =	vadd.f32 v18, v12  }
0x75: {  	v12 =	vld [tilespmem:s28+$0x120];
	v13 =	vtrunc.f32 v13;
	v18 =	vadd.f32 v7, v60  }
0x76: {  	v7 =	vshll.u32 v9, $0x8;
	v9 =	vld [tilespmem:s28+$0x1A0];
	v13 =	vcvt.f32.s32 v13;
	v8 =	vtrunc.f32 v8  }
0x77: {  	v62 =	vld [tilespmem:s28+$0x1B0];
	v7 =	vor.u32 v7, v10;
	v10 =	vtrunc.f32 v18;
	v11 =	vadd.f32 v11, v19  }
0x78: {  	v18 =	vcvt.f32.s32 v8;
	v63 =	vcvt.f32.s32 v10;
	v19 =	vld [tilespmem:s28+$0x130]  }
0x79: {  	v8 =	vld [tilespmem:s28+$0x140];
	v13 =	vor.u32 v13, v16;
	v10 =	vtrunc.f32 v11;
	v11 =	vadd.f32 v14, v15  }
0x7a: {  	v16 =	vor.u32 v63, v61;
	v14 =	vshll.u32 v18, $0x8;
	v15 =	vcvt.f32.s32 v10;
	v10 =	vld [tilespmem:s28+$0x1C0]  }
0x7b: {  	s25 =	simm.s32 $0x80C0;
	v18 =	vadd.f32 v9, v12;
	v9 =	vld [tilespmem:s28+$0x150];
	v16 =	vor.u32 v17, v16;
	v11 =	vtrunc.f32 v11  }
0x7c: {  	[tilespmem:s25+$0x30] =	vst v6;
	v12 =	vld [tilespmem:s28+$0x1D0];
	v6 =	vor.u32 v14, v13;
	v15 =	vshll.u32 v15, $0xC;
	v17 =	vcvt.f32.s32 v11  }
0x7d: {  	v11 =	vld [tilespmem:s28+$0x160];
	v14 =	vadd.f32 v62, v19;
	v13 =	vor.u32 v15, v16;
	v15 =	vtrunc.f32 v18  }
0x7e: {  	s26 =	simm.s32 $0x0;
	[tilespmem:s25+$0xFFFFFFC0] =	vst v13;
	v16 =	vshll.u32 v17, $0xC;
	v15 =	vcvt.f32.s32 v15;
	v13 =	vld [tilespmem:s28+$0x1E0];
	s28 =	simm.s32 $0x680  }
.LBB2_2:
0x7f: {  	v17 =	vld [tilespmem:s28+$0x170];
	v2 =	vor.u32 v16, v2;
	v14 =	vtrunc.f32 v14;
	v8 =	vadd.f32 v10, v8  }
0x80: {  	v10 =	vld [tilespmem:s28+$0x1F0];
	[tilespmem:s25+$0xFFFFFFD0] =	vst v2;
	v2 =	vshll.u32 v15, $0xC;
	v14 =	vcvt.f32.s32 v14  }
0x81: {  	v15 =	vld [tilespmem:s28+$0xFFFFFE70];
	v2 =	vor.u32 v2, v3;
	v3 =	vtrunc.f32 v8;
	v8 =	vadd.f32 v12, v9  }
0x82: {  	v9 =	vld [tilespmem:s28+$0xFFFFFEF0];
	[tilespmem:s25+$0xFFFFFFE0] =	vst v2;
	v2 =	vshll.u32 v14, $0xC;
	v3 =	vcvt.f32.s32 v3  }
0x83: {  	v12 =	vld [tilespmem:s28+$0x70];
	v2 =	vor.u32 v2, v4;
	v4 =	vtrunc.f32 v8;
	v8 =	vadd.f32 v13, v11  }
0x84: {  	v11 =	vld [tilespmem:s28+$0xFFFFFF70];
	[tilespmem:s25+$0xFFFFFFF0] =	vst v2;
	v2 =	vshll.u32 v3, $0xC;
	v3 =	vcvt.f32.s32 v4  }
0x85: {  	s26 =	sadd.s32 $0x8, s26;
	v4 =	vld [tilespmem:s28+$0xFFFFFFF0];
	v2 =	vor.u32 v2, v5;
	v5 =	vtrunc.f32 v8  }
0x86: {  	p0 =	slt.u32 s26, $0xF8;
	v8 =	vld [tilespmem:s28+$0xF0];
	[tilespmem:s25+$0x0] =	vst v2;
	v2 =	vshll.u32 v3, $0xC;
	v3 =	vcvt.f32.s32 v5  }
0x87: {  	v5 =	vld [tilespmem:s28+$0xFFFFFF00];
	v2 =	vor.u32 v2, v7  }
0x88: {  	v7 =	vld [tilespmem:s28+$0xFFFFFF80];
	[tilespmem:s25+$0x10] =	vst v2;
	v2 =	vshll.u32 v3, $0xC  }
0x89: {  	v10 =	vadd.f32 v10, v17;
	v3 =	vld [tilespmem:s28+$0xFFFFFF10];
	v2 =	vor.u32 v2, v6  }
0x8a: {  	v9 =	vadd.f32 v9, v15;
	v6 =	vld [tilespmem:s28+$0xFFFFFF90];
	v4 =	vadd.f32 v4, v11;
	[tilespmem:s25+$0x20] =	vst v2  }
0x8b: {  	v10 =	vtrunc.f32 v10;
	v2 =	vld [tilespmem:s28+$0xFFFFFF20];
	v8 =	vadd.f32 v8, v12  }
0x8c: {  	v9 =	vtrunc.f32 v9;
	v11 =	vld [tilespmem:s28+$0xFFFFFFA0];
	v4 =	vtrunc.f32 v4  }
0x8d: {  	v5 =	vadd.f32 v7, v5;
	v7 =	vld [tilespmem:s28+$0xFFFFFF30];
	v4 =	vcvt.f32.s32 v4;
	v8 =	vtrunc.f32 v8  }
0x8e: {  	v9 =	vcvt.f32.s32 v9;
	v12 =	vld [tilespmem:s28+$0xFFFFFFB0];
	v8 =	vcvt.f32.s32 v8  }
0x8f: {  	v3 =	vadd.f32 v6, v3;
	v13 =	vld [tilespmem:s28+$0xFFFFFF40];
	v4 =	vshll.u32 v4, $0x4;
	v6 =	vcvt.f32.s32 v10  }
0x90: {  	v5 =	vtrunc.f32 v5;
	v10 =	vld [tilespmem:s28+$0xFFFFFFC0];
	v4 =	vor.u32 v9, v4;
	v8 =	vshll.u32 v8, $0x8  }
0x91: {  	v2 =	vadd.f32 v11, v2;
	v9 =	vld [tilespmem:s28+$0xFFFFFF50];
	v4 =	vor.u32 v8, v4;
	v6 =	vshll.u32 v6, $0xC  }
0x92: {  	s25 =	sadd.s32 $0x80, s25;
	v5 =	vcvt.f32.s32 v5;
	v3 =	vtrunc.f32 v3;
	v8 =	vld [tilespmem:s28+$0xFFFFFFD0];
	v4 =	vor.u32 v6, v4  }
0x93: {  	v3 =	vcvt.f32.s32 v3;
	v2 =	vtrunc.f32 v2;
	v11 =	vadd.f32 v12, v7;
	v12 =	vld [tilespmem:s28+$0xFFFFFF60];
	[tilespmem:s25+$0x30] =	vst v4  }
0x94: {  	v6 =	vshll.u32 v5, $0x4;
	v2 =	vcvt.f32.s32 v2;
	v4 =	vld [tilespmem:s28+$0xFFFFFFE0]  }
0x95: {  	v3 =	vshll.u32 v3, $0x4;
	v7 =	vld [tilespmem:s28+$0xFFFFFE80];
	v5 =	vtrunc.f32 v11;
	v10 =	vadd.f32 v10, v13  }
0x96: {  	v11 =	vld [tilespmem:s28+$0x0];
	v13 =	vshll.u32 v2, $0x4;
	v2 =	vcvt.f32.s32 v5  }
0x97: {  	v5 =	vld [tilespmem:s28+$0x80];
	v10 =	vtrunc.f32 v10;
	v8 =	vadd.f32 v8, v9  }
0x98: {  	v9 =	vld [tilespmem:s28+$0xFFFFFE10];
	v14 =	vshll.u32 v2, $0x4;
	v2 =	vcvt.f32.s32 v10  }
0x99: {  	v10 =	vld [tilespmem:s28+$0xFFFFFE90];
	v8 =	vtrunc.f32 v8;
	v4 =	vadd.f32 v4, v12  }
0x9a: {  	v12 =	vld [tilespmem:s28+$0x10];
	v15 =	vshll.u32 v2, $0x4;
	v2 =	vcvt.f32.s32 v8  }
0x9b: {  	v8 =	vld [tilespmem:s28+$0x90];
	v4 =	vtrunc.f32 v4  }
0x9c: {  	v5 =	vadd.f32 v5, v11;
	v11 =	vld [tilespmem:s28+$0xFFFFFE20];
	v16 =	vshll.u32 v2, $0x4;
	v2 =	vcvt.f32.s32 v4  }
0x9d: {  	v4 =	vld [tilespmem:s28+$0xFFFFFEA0]  }
0x9e: {  	v5 =	vtrunc.f32 v5;
	v9 =	vadd.f32 v10, v9;
	v10 =	vld [tilespmem:s28+$0x20];
	v17 =	vshll.u32 v2, $0x4  }
0x9f: {  	v2 =	vcvt.f32.s32 v5;
	v5 =	vld [tilespmem:s28+$0xA0]  }
0xa0: {  	v9 =	vtrunc.f32 v9;
	v8 =	vadd.f32 v8, v12;
	v12 =	vld [tilespmem:s28+$0xFFFFFE30]  }
0xa1: {  	v18 =	vshll.u32 v2, $0x8;
	v2 =	vcvt.f32.s32 v9;
	v9 =	vld [tilespmem:s28+$0xFFFFFEB0]  }
0xa2: {  	v8 =	vtrunc.f32 v8;
	v4 =	vadd.f32 v4, v11;
	v11 =	vld [tilespmem:s28+$0x30]  }
0xa3: {  	v2 =	vor.u32 v2, v3;
	v3 =	vcvt.f32.s32 v8;
	v8 =	vld [tilespmem:s28+$0xB0]  }
0xa4: {  	v4 =	vtrunc.f32 v4;
	v5 =	vadd.f32 v5, v10;
	v10 =	vld [tilespmem:s28+$0xFFFFFE40]  }
0xa5: {  	v3 =	vshll.u32 v3, $0x8;
	v4 =	vcvt.f32.s32 v4;
	v19 =	vld [tilespmem:s28+$0xFFFFFEC0]  }
0xa6: {  	v2 =	vor.u32 v3, v2;
	v3 =	vtrunc.f32 v5;
	v5 =	vadd.f32 v9, v12;
	v9 =	vld [tilespmem:s28+$0x40]  }
0xa7: {  	v4 =	vor.u32 v4, v13;
	v3 =	vcvt.f32.s32 v3;
	v12 =	vld [tilespmem:s28+$0xC0]  }
0xa8: {  	v5 =	vtrunc.f32 v5;
	v8 =	vadd.f32 v8, v11;
	v11 =	vld [tilespmem:s28+$0xFFFFFE50]  }
0xa9: {  	v3 =	vshll.u32 v3, $0x8;
	v5 =	vcvt.f32.s32 v5;
	v13 =	vld [tilespmem:s28+$0xFFFFFED0]  }
0xaa: {  	v3 =	vor.u32 v3, v4;
	v4 =	vtrunc.f32 v8;
	v8 =	vadd.f32 v19, v10;
	v10 =	vld [tilespmem:s28+$0x50]  }
0xab: {  	v5 =	vor.u32 v5, v14;
	v4 =	vcvt.f32.s32 v4;
	v14 =	vld [tilespmem:s28+$0xD0]  }
0xac: {  	v8 =	vtrunc.f32 v8;
	v9 =	vadd.f32 v12, v9;
	v12 =	vld [tilespmem:s28+$0xFFFFFE60]  }
0xad: {  	v4 =	vshll.u32 v4, $0x8;
	v8 =	vcvt.f32.s32 v8;
	v19 =	vld [tilespmem:s28+$0xFFFFFEE0]  }
0xae: {  	v4 =	vor.u32 v4, v5;
	v5 =	vtrunc.f32 v9;
	v9 =	vadd.f32 v13, v11;
	v11 =	vld [tilespmem:s28+$0x60]  }
0xaf: {  	v8 =	vor.u32 v8, v15;
	v5 =	vcvt.f32.s32 v5;
	v13 =	vld [tilespmem:s28+$0xE0]  }
0xb0: {  	v15 =	vld [tilespmem:s28+$0xFFFFFE00];
	v9 =	vtrunc.f32 v9;
	v10 =	vadd.f32 v14, v10  }
0xb1: {  	v14 =	vld [tilespmem:s28+$0x100];
	v5 =	vshll.u32 v5, $0x8;
	v9 =	vcvt.f32.s32 v9  }
0xb2: {  	v20 =	vld [tilespmem:s28+$0x180];
	v5 =	vor.u32 v5, v8;
	v8 =	vtrunc.f32 v10;
	v10 =	vadd.f32 v19, v12  }
0xb3: {  	v12 =	vld [tilespmem:s28+$0x110];
	v9 =	vor.u32 v9, v16;
	v8 =	vcvt.f32.s32 v8  }
0xb4: {  	v16 =	vld [tilespmem:s28+$0x190];
	v10 =	vtrunc.f32 v10;
	v11 =	vadd.f32 v13, v11  }
0xb5: {  	v13 =	vadd.f32 v7, v15;
	v15 =	vld [tilespmem:s28+$0x120];
	v7 =	vshll.u32 v8, $0x8;
	v8 =	vcvt.f32.s32 v10  }
0xb6: {  	v19 =	vld [tilespmem:s28+$0x1A0];
	v7 =	vor.u32 v7, v9;
	v9 =	vtrunc.f32 v11  }
0xb7: {  	v10 =	vtrunc.f32 v13;
	v11 =	vadd.f32 v20, v14;
	v13 =	vld [tilespmem:s28+$0x130];
	v9 =	vcvt.f32.s32 v9  }
0xb8: {  	v17 =	vor.u32 v8, v17;
	v10 =	vcvt.f32.s32 v10;
	v14 =	vld [tilespmem:s28+$0x1B0]  }
0xb9: {  	v11 =	vtrunc.f32 v11;
	v12 =	vadd.f32 v16, v12;
	v8 =	vld [tilespmem:s28+$0x140];
	v9 =	vshll.u32 v9, $0x8  }
.Ltmp0:
0xba: {  	v16 =	vor.u32 v10, v6;
	v11 =	vcvt.f32.s32 v11;
	v10 =	vld [tilespmem:s28+$0x1C0];
	v6 =	vor.u32 v9, v17;
	(pc) =	sbr.rel @p0 .LBB2_2-.Ltmp0, $4  }
0xbb: {  	v16 =	vor.u32 v18, v16;
	v12 =	vtrunc.f32 v12;
	v15 =	vadd.f32 v19, v15;
	v9 =	vld [tilespmem:s28+$0x150]  }
0xbc: {  	v11 =	vshll.u32 v11, $0xC;
	v17 =	vcvt.f32.s32 v12;
	v12 =	vld [tilespmem:s28+$0x1D0]  }
0xbd: {  	v16 =	vor.u32 v11, v16;
	v15 =	vtrunc.f32 v15;
	v14 =	vadd.f32 v14, v13;
	v11 =	vld [tilespmem:s28+$0x160]  }
0xbe: {  	[tilespmem:s25+$0xFFFFFFC0] =	vst v16;
	v16 =	vshll.u32 v17, $0xC;
	v15 =	vcvt.f32.s32 v15;
	v13 =	vld [tilespmem:s28+$0x1E0];
	s28 =	sadd.s32 $0x400, s28  }
0xbf: {  	_ =	sdelay $0x1  }
0xc0: {  	v2 =	vor.u32 v16, v2;
	v8 =	vadd.f32 v10, v8  }
0xc1: {  	v60 =	vtrunc.f32 v14;
	v61 =	vshll.u32 v15, $0xC;
	v9 =	vadd.f32 v12, v9  }
0xc2: {  	v10 =	vcvt.f32.s32 v60;
	v8 =	vtrunc.f32 v8;
	v11 =	vadd.f32 v13, v11  }
0xc3: {  	v3 =	vor.u32 v61, v3;
	v8 =	vcvt.f32.s32 v8;
	v9 =	vtrunc.f32 v9  }
0xc4: {  	[tilespmem:s25+$0xFFFFFFD0] =	vst v2;
	v2 =	vshll.u32 v10, $0xC;
	v9 =	vcvt.f32.s32 v9;
	v62 =	vtrunc.f32 v11  }
0xc5: {  	[tilespmem:s25+$0xFFFFFFE0] =	vst v3;
	v2 =	vor.u32 v2, v4;
	v3 =	vshll.u32 v8, $0xC;
	v63 =	vcvt.f32.s32 v62  }
0xc6: {  	[tilespmem:s25+$0xFFFFFFF0] =	vst v2;
	v2 =	vor.u32 v3, v5;
	v3 =	vshll.u32 v9, $0xC  }
0xc7: {  	s24 =	sadd.s32 $0x1, s24;
	[tilespmem:s25+$0x0] =	vst v2;
	v2 =	vor.u32 v3, v7;
	v3 =	vshll.u32 v63, $0xC  }
0xc8: {  	p0 =	sne.s32 s24, s21;
	[tilespmem:s25+$0x10] =	vst v2;
	v2 =	vor.u32 v3, v6  }
.Ltmp1:
0xc9: {  	[tilespmem:s25+$0x20] =	vst v2;
	(pc) =	sbr.rel @p0 .LBB2_1-.Ltmp1, $4  }
0xca: {  	[hbm4b:s20+s23] =	stream.strided.scatter [tilespmem:s2], [sflag:$0x2], $0x1000, s0, s23, $0x38;
	[tilespmem:$0x9080] =	vst v63  }
0xcb: {  	_ =	swait.ge [sflag:s22], $0x1000  }
0xcc: {  	[sflag:s22] =	ssyncset.done $0x0  }
0xcd: {  	[sflag:s22] =	ssyncadd.s32 $0xFFFFF000  }
0xce: {  	_ =	sfence.sel $0x180000  }
0xcf: {  	[bflag:$0x0] =	sbarrier.arrive $0xFFFF  }
0xd0: {  	_ =	strace $0x90000047  }
0xd1: {  	s0 =	stileid.u32;
	[bflag:$0x2] =	sbarrier.arrive $0xFFFF  }
0xd2: {  	p0 =	sne.s32 s0, $0x0;
	s0 =	rddreg [dreg:$0x3]  }
0xd3: {  	s0 =	sadd.s32 @!p0 $0x100000, s0  }
0xd4: {  	[sflag:s0] =	ssyncadd.tile.s32 @!p0 $0x1;
	_ =	shalt  }
.Lfunc_end2:
_tile_overlayer_lowered:
.L_overlay_start_2:
0xd5: {  	(tag) =	ssettag $0x2  }
0xd6: {  	s0 =	rddreg [dreg:$0x0];
	s2 =	stileid.u32  }
0xd7: {  	s1 =	rddreg [dreg:$0x1];
	p0 =	sne.s32 s2, $0x0  }
0xd8: {  	s3 =	rddreg [dreg:$0x2];
	[bflag:$0x3] =	sbarrier.arrive $0xFFFF;
	s2 =	simm.s32 @!p0 $0x1C02  }
0xd9: {  	[timem:s3], [sflag:s2] =	dma.local @!p0 [hbm:s0], s1  }
0xda: {  	s0 =	simm.s32 @!p0 $0x2  }
0xdb: {  	_ =	swait.ge @!p0 [sflag:s0], s1  }
0xdc: {  	s1 =	ssub.s32 @!p0 $0x0, s1;
	[sflag:s0] =	ssyncset.done @!p0 $0x0  }
0xdd: {  	[sflag:s0] =	ssyncadd.s32 @!p0 s1  }
0xde: {  	[bflag:$0x3] =	sbarrier.arrive $0xFFFF  }
0xdf: {  	_ =	shalt  }

</sc_bundles>
